<compile_context>
chip_gen: v7x
topology: tpu7x:2x2x1
jax: 0.10.2.dev20260603
libtpu: 0.0.44.dev20260713+nightly
codegen_flags: <defaults>
</compile_context>

<pallas_src>
import functools

import jax
import jax.numpy as jnp
from jax import lax
from jax.experimental import pallas as pl
from jax.experimental.pallas import tpu as pltpu
from jax.experimental.pallas import tpu_sc as plsc

N_NODES = 10000
N_EDGES = 320000
D = 128

NC = 2
NS = 16
NW = NC * NS

EPT = N_EDGES // NW
CHUNK = 80
NCHUNK = EPT // CHUNK
NBUF = 3
ROWS_MOST = 640
ROWS_LAST = N_NODES - 15 * ROWS_MOST
ZROWS = 16

_SC_MESH = plsc.VectorSubcoreMesh(
    core_axis_name="c", subcore_axis_name="s", num_cores=NC, num_subcores=NS)


@functools.partial(
    pl.kernel,
    out_type=jax.ShapeDtypeStruct((NC, N_NODES, D), jnp.float32),
    mesh=_SC_MESH,
    scratch_types=[
        pltpu.VMEM_SHARED((N_NODES, D), jnp.float32),
        pltpu.VMEM((NCHUNK, CHUNK), jnp.int32),
        pltpu.VMEM((NBUF, CHUNK, D), jnp.float32),
        pltpu.VMEM((ZROWS, D), jnp.float32),
        pltpu.SemaphoreType.DMA,
        pltpu.SemaphoreType.DMA,
        pltpu.SemaphoreType.DMA,
        pltpu.SemaphoreType.DMA,
        pltpu.SemaphoreType.DMA,
        pltpu.SemaphoreType.DMA,
    ],
)
def _sc_scatter_add(e_hbm, dst_hbm, out_hbm, acc, idx_v, ebuf, zbuf,
                    fill_sem0, fill_sem1, fill_sem2,
                    scat_sem0, scat_sem1, scat_sem2):
    c = lax.axis_index("c")
    s = lax.axis_index("s")
    fill_sems = (fill_sem0, fill_sem1, fill_sem2)
    scat_sems = (scat_sem0, scat_sem1, scat_sem2)

    base = (c * NS + s) * EPT
    wid = c * NS + s

    def _fill(j, b):
        pltpu.async_copy(e_hbm.at[pl.ds(base + j * CHUNK, CHUNK)],
                         ebuf.at[b], fill_sems[b])

    pltpu.async_copy(dst_hbm.at[wid], idx_v, scat_sem0)
    _fill(0, 0)
    _fill(1, 1)

    def _zrow(r, _):
        def _zcol(j, _):
            zbuf[r, pl.ds(j * 16, 16)] = jnp.zeros((16,), jnp.float32)
            return 0
        return lax.fori_loop(0, D // 16, _zcol, 0)
    lax.fori_loop(0, ZROWS, _zrow, 0)

    def _zcp(t, _):
        pltpu.sync_copy(zbuf, acc.at[pl.ds(s * ROWS_MOST + t * ZROWS, ZROWS)])
        return 0

    @pl.when(s < 15)
    def _():
        lax.fori_loop(0, ROWS_MOST // ZROWS, _zcp, 0)

    @pl.when(s == 15)
    def _():
        lax.fori_loop(0, ROWS_LAST // ZROWS, _zcp, 0)

    pltpu.make_async_copy(dst_hbm.at[wid], idx_v, scat_sem0).wait()
    plsc.subcore_barrier()

    def _wait_fill(b):
        pltpu.make_async_copy(e_hbm.at[pl.ds(base, CHUNK)],
                              ebuf.at[b], fill_sems[b]).wait()

    def _drain_scat(b):
        pltpu.make_async_copy(e_hbm.at[pl.ds(base, CHUNK)],
                              ebuf.at[b], scat_sems[b]).wait()

    def _step(j, b, do_drain=True, do_fill=True):
        _wait_fill(b)
        pltpu.async_copy(ebuf.at[b], acc.at[idx_v.at[j]], scat_sems[b],
                         add=True)
        br = (b + 2) % NBUF
        if do_drain:
            _drain_scat(br)
        if do_fill:
            _fill(j + 2, br)

    _step(0, 0, do_drain=False)
    _step(1, 1)
    _step(2, 2)

    def _triple(t, _):
        j = 3 * t
        _step(j, 0)
        _step(j + 1, 1)
        _step(j + 2, 2)
        return 0
    lax.fori_loop(1, (NCHUNK - 2) // 3, _triple, 0)
    _step(NCHUNK - 2, 0, do_fill=False)
    _step(NCHUNK - 1, 1, do_fill=False)
    _drain_scat(1)
    plsc.subcore_barrier()

    @pl.when(s < 15)
    def _():
        pltpu.sync_copy(acc.at[pl.ds(s * ROWS_MOST, ROWS_MOST)],
                        out_hbm.at[c, pl.ds(s * ROWS_MOST, ROWS_MOST)])

    @pl.when(s == 15)
    def _():
        pltpu.sync_copy(acc.at[pl.ds(15 * ROWS_MOST, ROWS_LAST)],
                        out_hbm.at[c, pl.ds(15 * ROWS_MOST, ROWS_LAST)])


_ROWS_BLK = 5000


def _matmul_t(x, w):
    return lax.dot_general(x, w, (((1,), (1,)), ((), ())),
                           preferred_element_type=jnp.float32)


def _mlp_body(p0_ref, p1_ref, v_ref, w1_ref, b1_ref, w2_ref, b2_ref, o_ref):
    x = p0_ref[...] + p1_ref[...]
    h = _matmul_t(x, w1_ref[...]) + b1_ref[...]
    sp = jnp.maximum(h, 0.0) + jnp.log1p(jnp.exp(-jnp.abs(h)))
    sp = sp - jnp.log(jnp.float32(2.0))
    o_ref[...] = v_ref[...] + b2_ref[...] + _matmul_t(sp, w2_ref[...])


def _mlp(p0, p1, v, W1T, b1, W2T, b2):
    grid = (N_NODES // _ROWS_BLK,)
    row_spec = pl.BlockSpec((_ROWS_BLK, D), lambda i: (i, 0))
    w_spec = pl.BlockSpec((D, D), lambda i: (0, 0))
    b_spec = pl.BlockSpec((1, D), lambda i: (0, 0))
    return pl.pallas_call(
        _mlp_body,
        grid=grid,
        in_specs=[row_spec, row_spec, row_spec, w_spec, b_spec, w_spec, b_spec],
        out_specs=row_spec,
        out_shape=jax.ShapeDtypeStruct((N_NODES, D), jnp.float32),
    )(p0, p1, v, W1T, b1, W2T, b2)


def kernel(v, e, edge_index, W1, b1, W2, b2):
    dst = edge_index[1].reshape(NW, NCHUNK, CHUNK)
    partials = _sc_scatter_add(e, dst)
    return _mlp(partials[0], partials[1], v,
                W1, b1.reshape(1, D), W2, b2.reshape(1, D))

# --- scband reference (transcript-rebuilt; emitter-appended) ---
"""Pipeline reference for scband-update-v-17377437680124 (READ-ONLY COPY).

The authoritative reference and input builder live on the scoring server;
editing this copy changes nothing except your own understanding.
"""

import jax, jax.numpy as jnp
import numpy as np

N_NODES = 10000
N_EDGES = 320000
NUM_FILTERS = 128
HIDDEN = 128


def _xavier_uniform(key, fan_out, fan_in):
    limit = float(np.sqrt(6.0 / (fan_in + fan_out)))
    return jax.random.uniform(key, (fan_out, fan_in), dtype=jnp.float32, minval=-limit, maxval=limit)


def setup_inputs(seed: int = 0) -> dict:
    key = jax.random.key(seed)
    k_v, k_e, k_idx, k_w1, k_w2 = jax.random.split(key, 5)
    v = jax.random.normal(k_v, (N_NODES, HIDDEN), dtype=jnp.float32)
    e = jax.random.normal(k_e, (N_EDGES, NUM_FILTERS), dtype=jnp.float32)
    edge_index = jax.random.randint(k_idx, (2, N_EDGES), 0, N_NODES, dtype=jnp.int64 if jax.config.jax_enable_x64 else jnp.int32).astype(jnp.int32)
    # lin1: Linear(num_filters, hidden_channels), xavier_uniform weight, zero bias
    W1 = _xavier_uniform(k_w1, HIDDEN, NUM_FILTERS)
    b1 = jnp.zeros((HIDDEN,), dtype=jnp.float32)
    # lin2: Linear(hidden_channels, hidden_channels)
    W2 = _xavier_uniform(k_w2, HIDDEN, HIDDEN)
    b2 = jnp.zeros((HIDDEN,), dtype=jnp.float32)
    return {"v": v, "e": e, "edge_index": edge_index, "W1": W1, "b1": b1, "W2": W2, "b2": b2}


def reference(v, e, edge_index, W1, b1, W2, b2):
    shift = jnp.log(jnp.asarray(2.0, dtype=jnp.float32))
    i = edge_index[1]
    # scatter-add edge features to destination nodes
    out = jax.ops.segment_sum(e, i, num_segments=v.shape[0])
    out = out @ W1.T + b1
    out = jax.nn.softplus(out) - shift  # ShiftedSoftplus
    # dropout_rate = 0.0 -> identity (eval / p=0)
    out = out @ W2.T + b2
    return v + out

if __name__ == "__main__":
    import jax
    _d = setup_inputs()
    print(jax.jit(kernel)(*tuple(_d.values())))

</pallas_src>

<mosaic_0001>
#map = affine_map<(d0, d1) -> (0, 0)>
#map1 = affine_map<(d0, d1) -> (0, 0, 0)>
module attributes {stable_mosaic.version = 14 : i64} {
  func.func @_sc_scatter_add(%arg0: i32, %arg1: i32, %arg2: memref<320000x128xf32, #tpu.memory_space<hbm>>, %arg3: memref<32x125x80xi32, #tpu.memory_space<hbm>>, %arg4: memref<2x10000x128xf32, #tpu.memory_space<hbm>>, %arg5: memref<10000x128xf32, #tpu.memory_space<vmem_shared>>, %arg6: memref<125x80xi32, #tpu.memory_space<vmem>>, %arg7: memref<3x80x128xf32, #tpu.memory_space<vmem>>, %arg8: memref<16x128xf32, #tpu.memory_space<vmem>>, %arg9: memref<!tpu.dma_semaphore, #tpu.memory_space<semaphore_mem>>, %arg10: memref<!tpu.dma_semaphore, #tpu.memory_space<semaphore_mem>>, %arg11: memref<!tpu.dma_semaphore, #tpu.memory_space<semaphore_mem>>, %arg12: memref<!tpu.dma_semaphore, #tpu.memory_space<semaphore_mem>>, %arg13: memref<!tpu.dma_semaphore, #tpu.memory_space<semaphore_mem>>, %arg14: memref<!tpu.dma_semaphore, #tpu.memory_space<semaphore_mem>>) attributes {dimension_semantics = [#tpu.dimension_semantics<core_parallel>, #tpu.dimension_semantics<subcore_parallel>], iteration_bounds = array<i64: 2, 16>, scalar_prefetch = 0 : i64, scratch_operands = 10 : i64, tpu.core_type = #tpu.core_type<sc_vector_subcore>, window_params = [{transform_indices = #map}, {transform_indices = #map1}, {transform_indices = #map1}]} {
    %mul3A = arith.constant 16 : i32
    %mul3A_0 = arith.muli %arg0, %mul3A : i32
    %add3A = arith.addi %mul3A_0, %arg1 : i32
    %mul3A_1 = arith.constant 10000 : i32
    %mul3A_2 = arith.muli %add3A, %mul3A_1 : i32
    %mul3A_3 = arith.constant 16 : i32
    %mul3A_4 = arith.muli %arg0, %mul3A_3 : i32
    %add3A_5 = arith.addi %mul3A_4, %arg1 : i32
    %dma_start3A = arith.constant 0 : i32
    %dma_start3A_6 = arith.constant 0 : i32
    %dma_start3A_7 = tpu.memref_slice %arg3[%add3A_5, %dma_start3A, %dma_start3A_6] : memref<32x125x80xi32, #tpu.memory_space<hbm>> -> memref<1x125x80xi32, #tpu.memory_space<hbm>>
    %dma_start3A_8 = tpu.memref_squeeze %dma_start3A_7 : memref<1x125x80xi32, #tpu.memory_space<hbm>> -> memref<125x80xi32, #tpu.memory_space<hbm>>
    %dma_start3A_9 = arith.constant 0 : i32
    %dma_start3A_10 = arith.constant 0 : i32
    %dma_start3A_11 = tpu.memref_slice %arg3[%add3A_5, %dma_start3A_9, %dma_start3A_10] : memref<32x125x80xi32, #tpu.memory_space<hbm>> -> memref<1x125x80xi32, #tpu.memory_space<hbm>>
    %dma_start3A_12 = tpu.memref_squeeze %dma_start3A_11 : memref<1x125x80xi32, #tpu.memory_space<hbm>> -> memref<125x80xi32, #tpu.memory_space<hbm>>
    tpu.enqueue_dma source(%dma_start3A_12 : memref<125x80xi32, #tpu.memory_space<hbm>>) target(%arg6 : memref<125x80xi32, #tpu.memory_space<vmem>>) target_semaphore(%arg12 : memref<!tpu.dma_semaphore, #tpu.memory_space<semaphore_mem>>)
    %add3A_13 = arith.constant 0 : i32
    %add3A_14 = arith.addi %mul3A_2, %add3A_13 : i32
    %dma_start3A_15 = arith.constant 0 : i32
    %dma_start3A_16 = arith.constant 0 : i32
    %dma_start3A_17 = arith.constant 0 : i32
    %dma_start3A_18 = tpu.memref_slice %arg7[%dma_start3A_15, %dma_start3A_16, %dma_start3A_17] : memref<3x80x128xf32, #tpu.memory_space<vmem>> -> memref<1x80x128xf32, #tpu.memory_space<vmem>>
    %dma_start3A_19 = tpu.memref_squeeze %dma_start3A_18 : memref<1x80x128xf32, #tpu.memory_space<vmem>> -> memref<80x128xf32, #tpu.memory_space<vmem>>
    %dma_start3A_20 = arith.constant 0 : i32
    %dma_start3A_21 = tpu.memref_slice %arg2[%add3A_14, %dma_start3A_20] : memref<320000x128xf32, #tpu.memory_space<hbm>> -> memref<80x128xf32, #tpu.memory_space<hbm>>
    %dma_start3A_22 = arith.constant 0 : i32
    %dma_start3A_23 = arith.constant 0 : i32
    %dma_start3A_24 = tpu.memref_slice %arg7[%dma_start3A_15, %dma_start3A_22, %dma_start3A_23] : memref<3x80x128xf32, #tpu.memory_space<vmem>> -> memref<1x80x128xf32, #tpu.memory_space<vmem>>
    %dma_start3A_25 = tpu.memref_squeeze %dma_start3A_24 : memref<1x80x128xf32, #tpu.memory_space<vmem>> -> memref<80x128xf32, #tpu.memory_space<vmem>>
    %dma_start3A_26 = arith.constant 0 : i32
    %dma_start3A_27 = tpu.memref_slice %arg2[%add3A_14, %dma_start3A_26] : memref<320000x128xf32, #tpu.memory_space<hbm>> -> memref<80x128xf32, #tpu.memory_space<hbm>>
    tpu.enqueue_dma source(%dma_start3A_27 : memref<80x128xf32, #tpu.memory_space<hbm>>) target(%dma_start3A_25 : memref<80x128xf32, #tpu.memory_space<vmem>>) target_semaphore(%arg9 : memref<!tpu.dma_semaphore, #tpu.memory_space<semaphore_mem>>)
    %add3A_28 = arith.constant 80 : i32
    %add3A_29 = arith.addi %mul3A_2, %add3A_28 : i32
    %dma_start3A_30 = arith.constant 1 : i32
    %dma_start3A_31 = arith.constant 0 : i32
    %dma_start3A_32 = arith.constant 0 : i32
    %dma_start3A_33 = tpu.memref_slice %arg7[%dma_start3A_30, %dma_start3A_31, %dma_start3A_32] : memref<3x80x128xf32, #tpu.memory_space<vmem>> -> memref<1x80x128xf32, #tpu.memory_space<vmem>>
    %dma_start3A_34 = tpu.memref_squeeze %dma_start3A_33 : memref<1x80x128xf32, #tpu.memory_space<vmem>> -> memref<80x128xf32, #tpu.memory_space<vmem>>
    %dma_start3A_35 = arith.constant 0 : i32
    %dma_start3A_36 = tpu.memref_slice %arg2[%add3A_29, %dma_start3A_35] : memref<320000x128xf32, #tpu.memory_space<hbm>> -> memref<80x128xf32, #tpu.memory_space<hbm>>
    %dma_start3A_37 = arith.constant 0 : i32
    %dma_start3A_38 = arith.constant 0 : i32
    %dma_start3A_39 = tpu.memref_slice %arg7[%dma_start3A_30, %dma_start3A_37, %dma_start3A_38] : memref<3x80x128xf32, #tpu.memory_space<vmem>> -> memref<1x80x128xf32, #tpu.memory_space<vmem>>
    %dma_start3A_40 = tpu.memref_squeeze %dma_start3A_39 : memref<1x80x128xf32, #tpu.memory_space<vmem>> -> memref<80x128xf32, #tpu.memory_space<vmem>>
    %dma_start3A_41 = arith.constant 0 : i32
    %dma_start3A_42 = tpu.memref_slice %arg2[%add3A_29, %dma_start3A_41] : memref<320000x128xf32, #tpu.memory_space<hbm>> -> memref<80x128xf32, #tpu.memory_space<hbm>>
    tpu.enqueue_dma source(%dma_start3A_42 : memref<80x128xf32, #tpu.memory_space<hbm>>) target(%dma_start3A_40 : memref<80x128xf32, #tpu.memory_space<vmem>>) target_semaphore(%arg10 : memref<!tpu.dma_semaphore, #tpu.memory_space<semaphore_mem>>)
    %scan3A = arith.constant 0 : i32
    %scan3A_43 = arith.constant 0 : i32
    %scan3A_44 = arith.constant 16 : i32
    %scan3A_45 = arith.addi %scan3A_43, %scan3A_44 : i32
    %scan3A_46 = arith.constant 1 : i32
    %scan3A_47 = scf.for %scan3A_315 = %scan3A_43 to %scan3A_45 step %scan3A_46 iter_args(%scan3A_316 = %scan3A) -> (i32)  : i32 {
      %scan3A_317 = arith.constant 0 : i32
      %scan3A_318 = arith.constant 0 : i32
      %scan3A_319 = arith.constant 8 : i32
      %scan3A_320 = arith.addi %scan3A_318, %scan3A_319 : i32
      %scan3A_321 = arith.constant 1 : i32
      %scan3A_322 = scf.for %scan3A_324 = %scan3A_318 to %scan3A_320 step %scan3A_321 iter_args(%scan3A_325 = %scan3A_317) -> (i32)  : i32 {
        %broadcast_in_dim3A = arith.constant 0.000000e+00 : f32
        %broadcast_in_dim3A_326 = vector.broadcast %broadcast_in_dim3A : f32 to vector<16xf32>
        %mul3A_327 = arith.constant 16 : i32
        %mul3A_328 = arith.muli %scan3A_324, %mul3A_327 : i32
        %swap3A = arith.index_cast %scan3A_315 : i32 to index
        %swap3A_329 = arith.index_cast %mul3A_328 : i32 to index
        %swap3A_330 = tpu.vector_load %arg8[%swap3A, %swap3A_329] {strides = array<i32>} : memref<16x128xf32, #tpu.memory_space<vmem>>, vector<1x16xf32>,
        %swap3A_331 = vector.shape_cast %swap3A_330 : vector<1x16xf32> to vector<16xf32>
        %swap3A_332 = vector.shape_cast %broadcast_in_dim3A_326 : vector<16xf32> to vector<1x16xf32>
        tpu.vector_store %arg8[%swap3A, %swap3A_329], %swap3A_332 {strides = array<i32>} : memref<16x128xf32, #tpu.memory_space<vmem>>, vector<1x16xf32>,
        %scan3A_333 = arith.constant 0 : i32
        scf.yield %scan3A_333 : i32
      }
      %scan3A_323 = arith.constant 8 : i32
      scf.yield %scan3A_322 : i32
    }
    %scan3A_48 = arith.constant 16 : i32
    %lt3A = arith.constant 15 : i32
    %lt3A_49 = arith.cmpi slt, %arg1, %lt3A : i32
    %convert_element_type3A = arith.extui %lt3A_49 : i1 to i32
    %cond3A = arith.constant 0 : i32
    %cond3A_50 = arith.cmpi ne, %convert_element_type3A, %cond3A : i32
    scf.if %cond3A_50 {
      %scan3A_315 = arith.constant 0 : i32
      %scan3A_316 = arith.constant 0 : i32
      %scan3A_317 = arith.constant 40 : i32
      %scan3A_318 = arith.addi %scan3A_316, %scan3A_317 : i32
      %scan3A_319 = arith.constant 1 : i32
      %scan3A_320 = scf.for %scan3A_322 = %scan3A_316 to %scan3A_318 step %scan3A_319 iter_args(%scan3A_323 = %scan3A_315) -> (i32)  : i32 {
        %mul3A_324 = arith.constant 640 : i32
        %mul3A_325 = arith.muli %arg1, %mul3A_324 : i32
        %mul3A_326 = arith.constant 16 : i32
        %mul3A_327 = arith.muli %scan3A_322, %mul3A_326 : i32
        %add3A_328 = arith.addi %mul3A_325, %mul3A_327 : i32
        "tpu.region"() ({
          %run_scoped3A = tpu.sem_alloc : memref<!tpu.dma_semaphore, #tpu.memory_space<semaphore_mem>>
          %dma_start3A_330 = arith.constant 0 : i32
          %dma_start3A_331 = tpu.memref_slice %arg5[%add3A_328, %dma_start3A_330] : memref<10000x128xf32, #tpu.memory_space<vmem_shared>> -> memref<16x128xf32, #tpu.memory_space<vmem_shared>>
          %dma_start3A_332 = arith.constant 0 : i32
          %dma_start3A_333 = tpu.memref_slice %arg5[%add3A_328, %dma_start3A_332] : memref<10000x128xf32, #tpu.memory_space<vmem_shared>> -> memref<16x128xf32, #tpu.memory_space<vmem_shared>>
          tpu.enqueue_dma source(%arg8 : memref<16x128xf32, #tpu.memory_space<vmem>>) target(%dma_start3A_333 : memref<16x128xf32, #tpu.memory_space<vmem_shared>>) target_semaphore(%run_scoped3A : memref<!tpu.dma_semaphore, #tpu.memory_space<semaphore_mem>>)
          %dma_wait3A_334 = arith.constant 0 : i32
          %dma_wait3A_335 = tpu.memref_slice %arg5[%add3A_328, %dma_wait3A_334] : memref<10000x128xf32, #tpu.memory_space<vmem_shared>> -> memref<16x128xf32, #tpu.memory_space<vmem_shared>>
          %dma_wait3A_336 = arith.constant 0 : i32
          %dma_wait3A_337 = tpu.memref_slice %arg5[%add3A_328, %dma_wait3A_336] : memref<10000x128xf32, #tpu.memory_space<vmem_shared>> -> memref<16x128xf32, #tpu.memory_space<vmem_shared>>
          tpu.wait_dma2 semaphore(%run_scoped3A : memref<!tpu.dma_semaphore, #tpu.memory_space<semaphore_mem>>) src(%arg8 : memref<16x128xf32, #tpu.memory_space<vmem>>) dst(%dma_wait3A_337 : memref<16x128xf32, #tpu.memory_space<vmem_shared>>)
          tpu.yield
        }) : () -> ()
        %scan3A_329 = arith.constant 0 : i32
        scf.yield %scan3A_329 : i32
      }
      %scan3A_321 = arith.constant 40 : i32
    } else {
    }
    %eq3A = arith.constant 15 : i32
    %eq3A_51 = arith.cmpi eq, %arg1, %eq3A : i32
    %convert_element_type3A_52 = arith.extui %eq3A_51 : i1 to i32
    %cond3A_53 = arith.constant 0 : i32
    %cond3A_54 = arith.cmpi ne, %convert_element_type3A_52, %cond3A_53 : i32
    scf.if %cond3A_54 {
      %scan3A_315 = arith.constant 0 : i32
      %scan3A_316 = arith.constant 0 : i32
      %scan3A_317 = arith.constant 25 : i32
      %scan3A_318 = arith.addi %scan3A_316, %scan3A_317 : i32
      %scan3A_319 = arith.constant 1 : i32
      %scan3A_320 = scf.for %scan3A_322 = %scan3A_316 to %scan3A_318 step %scan3A_319 iter_args(%scan3A_323 = %scan3A_315) -> (i32)  : i32 {
        %mul3A_324 = arith.constant 640 : i32
        %mul3A_325 = arith.muli %arg1, %mul3A_324 : i32
        %mul3A_326 = arith.constant 16 : i32
        %mul3A_327 = arith.muli %scan3A_322, %mul3A_326 : i32
        %add3A_328 = arith.addi %mul3A_325, %mul3A_327 : i32
        "tpu.region"() ({
          %run_scoped3A = tpu.sem_alloc : memref<!tpu.dma_semaphore, #tpu.memory_space<semaphore_mem>>
          %dma_start3A_330 = arith.constant 0 : i32
          %dma_start3A_331 = tpu.memref_slice %arg5[%add3A_328, %dma_start3A_330] : memref<10000x128xf32, #tpu.memory_space<vmem_shared>> -> memref<16x128xf32, #tpu.memory_space<vmem_shared>>
          %dma_start3A_332 = arith.constant 0 : i32
          %dma_start3A_333 = tpu.memref_slice %arg5[%add3A_328, %dma_start3A_332] : memref<10000x128xf32, #tpu.memory_space<vmem_shared>> -> memref<16x128xf32, #tpu.memory_space<vmem_shared>>
          tpu.enqueue_dma source(%arg8 : memref<16x128xf32, #tpu.memory_space<vmem>>) target(%dma_start3A_333 : memref<16x128xf32, #tpu.memory_space<vmem_shared>>) target_semaphore(%run_scoped3A : memref<!tpu.dma_semaphore, #tpu.memory_space<semaphore_mem>>)
          %dma_wait3A_334 = arith.constant 0 : i32
          %dma_wait3A_335 = tpu.memref_slice %arg5[%add3A_328, %dma_wait3A_334] : memref<10000x128xf32, #tpu.memory_space<vmem_shared>> -> memref<16x128xf32, #tpu.memory_space<vmem_shared>>
          %dma_wait3A_336 = arith.constant 0 : i32
          %dma_wait3A_337 = tpu.memref_slice %arg5[%add3A_328, %dma_wait3A_336] : memref<10000x128xf32, #tpu.memory_space<vmem_shared>> -> memref<16x128xf32, #tpu.memory_space<vmem_shared>>
          tpu.wait_dma2 semaphore(%run_scoped3A : memref<!tpu.dma_semaphore, #tpu.memory_space<semaphore_mem>>) src(%arg8 : memref<16x128xf32, #tpu.memory_space<vmem>>) dst(%dma_wait3A_337 : memref<16x128xf32, #tpu.memory_space<vmem_shared>>)
          tpu.yield
        }) : () -> ()
        %scan3A_329 = arith.constant 0 : i32
        scf.yield %scan3A_329 : i32
      }
      %scan3A_321 = arith.constant 25 : i32
    } else {
    }
    %dma_wait3A = arith.constant 0 : i32
    %dma_wait3A_55 = arith.constant 0 : i32
    %dma_wait3A_56 = tpu.memref_slice %arg3[%add3A_5, %dma_wait3A, %dma_wait3A_55] : memref<32x125x80xi32, #tpu.memory_space<hbm>> -> memref<1x125x80xi32, #tpu.memory_space<hbm>>
    %dma_wait3A_57 = tpu.memref_squeeze %dma_wait3A_56 : memref<1x125x80xi32, #tpu.memory_space<hbm>> -> memref<125x80xi32, #tpu.memory_space<hbm>>
    %dma_wait3A_58 = arith.constant 0 : i32
    %dma_wait3A_59 = arith.constant 0 : i32
    %dma_wait3A_60 = tpu.memref_slice %arg3[%add3A_5, %dma_wait3A_58, %dma_wait3A_59] : memref<32x125x80xi32, #tpu.memory_space<hbm>> -> memref<1x125x80xi32, #tpu.memory_space<hbm>>
    %dma_wait3A_61 = tpu.memref_squeeze %dma_wait3A_60 : memref<1x125x80xi32, #tpu.memory_space<hbm>> -> memref<125x80xi32, #tpu.memory_space<hbm>>
    tpu.wait_dma2 semaphore(%arg12 : memref<!tpu.dma_semaphore, #tpu.memory_space<semaphore_mem>>) src(%dma_wait3A_61 : memref<125x80xi32, #tpu.memory_space<hbm>>) dst(%arg6 : memref<125x80xi32, #tpu.memory_space<vmem>>)
    %barrier3A = arith.constant 0 : index
    tpu.barrier barrier_id(%barrier3A)
    %dma_wait3A_62 = arith.constant 0 : i32
    %dma_wait3A_63 = arith.constant 0 : i32
    %dma_wait3A_64 = arith.constant 0 : i32
    %dma_wait3A_65 = tpu.memref_slice %arg7[%dma_wait3A_62, %dma_wait3A_63, %dma_wait3A_64] : memref<3x80x128xf32, #tpu.memory_space<vmem>> -> memref<1x80x128xf32, #tpu.memory_space<vmem>>
    %dma_wait3A_66 = tpu.memref_squeeze %dma_wait3A_65 : memref<1x80x128xf32, #tpu.memory_space<vmem>> -> memref<80x128xf32, #tpu.memory_space<vmem>>
    %dma_wait3A_67 = arith.constant 0 : i32
    %dma_wait3A_68 = tpu.memref_slice %arg2[%mul3A_2, %dma_wait3A_67] : memref<320000x128xf32, #tpu.memory_space<hbm>> -> memref<80x128xf32, #tpu.memory_space<hbm>>
    %dma_wait3A_69 = arith.constant 0 : i32
    %dma_wait3A_70 = arith.constant 0 : i32
    %dma_wait3A_71 = tpu.memref_slice %arg7[%dma_wait3A_62, %dma_wait3A_69, %dma_wait3A_70] : memref<3x80x128xf32, #tpu.memory_space<vmem>> -> memref<1x80x128xf32, #tpu.memory_space<vmem>>
    %dma_wait3A_72 = tpu.memref_squeeze %dma_wait3A_71 : memref<1x80x128xf32, #tpu.memory_space<vmem>> -> memref<80x128xf32, #tpu.memory_space<vmem>>
    %dma_wait3A_73 = arith.constant 0 : i32
    %dma_wait3A_74 = tpu.memref_slice %arg2[%mul3A_2, %dma_wait3A_73] : memref<320000x128xf32, #tpu.memory_space<hbm>> -> memref<80x128xf32, #tpu.memory_space<hbm>>
    tpu.wait_dma2 semaphore(%arg9 : memref<!tpu.dma_semaphore, #tpu.memory_space<semaphore_mem>>) src(%dma_wait3A_74 : memref<80x128xf32, #tpu.memory_space<hbm>>) dst(%dma_wait3A_72 : memref<80x128xf32, #tpu.memory_space<vmem>>)
    %dma_start3A_75 = arith.constant 0 : i32
    %dma_start3A_76 = arith.constant 0 : i32
    %dma_start3A_77 = arith.constant 0 : i32
    %dma_start3A_78 = arith.constant 0 : i32
    %dma_start3A_79 = tpu.memref_slice %arg7[%dma_start3A_75, %dma_start3A_77, %dma_start3A_78] : memref<3x80x128xf32, #tpu.memory_space<vmem>> -> memref<1x80x128xf32, #tpu.memory_space<vmem>>
    %dma_start3A_80 = tpu.memref_squeeze %dma_start3A_79 : memref<1x80x128xf32, #tpu.memory_space<vmem>> -> memref<80x128xf32, #tpu.memory_space<vmem>>
    %dma_start3A_81 = arith.constant 0 : i32
    %dma_start3A_82 = tpu.memref_slice %arg6[%dma_start3A_76, %dma_start3A_81] : memref<125x80xi32, #tpu.memory_space<vmem>> -> memref<1x80xi32, #tpu.memory_space<vmem>>
    %dma_start3A_83 = tpu.memref_squeeze %dma_start3A_82 : memref<1x80xi32, #tpu.memory_space<vmem>> -> memref<80xi32, #tpu.memory_space<vmem>>
    %dma_start3A_84 = arith.constant 0 : i32
    %dma_start3A_85 = arith.constant 0 : i32
    %dma_start3A_86 = tpu.memref_slice %arg5[%dma_start3A_84, %dma_start3A_85] : memref<10000x128xf32, #tpu.memory_space<vmem_shared>> -> memref<10000x128xf32, #tpu.memory_space<vmem_shared>>
    tpu.enqueue_indirect_dma source(%dma_start3A_80 : memref<80x128xf32, #tpu.memory_space<vmem>>) target(%dma_start3A_86 : memref<10000x128xf32, #tpu.memory_space<vmem_shared>>) offsets(%dma_start3A_83 : memref<80xi32, #tpu.memory_space<vmem>>) semaphore(%arg12 : memref<!tpu.dma_semaphore, #tpu.memory_space<semaphore_mem>>) {add = true}
    %add3A_87 = arith.constant 160 : i32
    %add3A_88 = arith.addi %mul3A_2, %add3A_87 : i32
    %dma_start3A_89 = arith.constant 2 : i32
    %dma_start3A_90 = arith.constant 0 : i32
    %dma_start3A_91 = arith.constant 0 : i32
    %dma_start3A_92 = tpu.memref_slice %arg7[%dma_start3A_89, %dma_start3A_90, %dma_start3A_91] : memref<3x80x128xf32, #tpu.memory_space<vmem>> -> memref<1x80x128xf32, #tpu.memory_space<vmem>>
    %dma_start3A_93 = tpu.memref_squeeze %dma_start3A_92 : memref<1x80x128xf32, #tpu.memory_space<vmem>> -> memref<80x128xf32, #tpu.memory_space<vmem>>
    %dma_start3A_94 = arith.constant 0 : i32
    %dma_start3A_95 = tpu.memref_slice %arg2[%add3A_88, %dma_start3A_94] : memref<320000x128xf32, #tpu.memory_space<hbm>> -> memref<80x128xf32, #tpu.memory_space<hbm>>
    %dma_start3A_96 = arith.constant 0 : i32
    %dma_start3A_97 = arith.constant 0 : i32
    %dma_start3A_98 = tpu.memref_slice %arg7[%dma_start3A_89, %dma_start3A_96, %dma_start3A_97] : memref<3x80x128xf32, #tpu.memory_space<vmem>> -> memref<1x80x128xf32, #tpu.memory_space<vmem>>
    %dma_start3A_99 = tpu.memref_squeeze %dma_start3A_98 : memref<1x80x128xf32, #tpu.memory_space<vmem>> -> memref<80x128xf32, #tpu.memory_space<vmem>>
    %dma_start3A_100 = arith.constant 0 : i32
    %dma_start3A_101 = tpu.memref_slice %arg2[%add3A_88, %dma_start3A_100] : memref<320000x128xf32, #tpu.memory_space<hbm>> -> memref<80x128xf32, #tpu.memory_space<hbm>>
    tpu.enqueue_dma source(%dma_start3A_101 : memref<80x128xf32, #tpu.memory_space<hbm>>) target(%dma_start3A_99 : memref<80x128xf32, #tpu.memory_space<vmem>>) target_semaphore(%arg11 : memref<!tpu.dma_semaphore, #tpu.memory_space<semaphore_mem>>)
    %dma_wait3A_102 = arith.constant 1 : i32
    %dma_wait3A_103 = arith.constant 0 : i32
    %dma_wait3A_104 = arith.constant 0 : i32
    %dma_wait3A_105 = tpu.memref_slice %arg7[%dma_wait3A_102, %dma_wait3A_103, %dma_wait3A_104] : memref<3x80x128xf32, #tpu.memory_space<vmem>> -> memref<1x80x128xf32, #tpu.memory_space<vmem>>
    %dma_wait3A_106 = tpu.memref_squeeze %dma_wait3A_105 : memref<1x80x128xf32, #tpu.memory_space<vmem>> -> memref<80x128xf32, #tpu.memory_space<vmem>>
    %dma_wait3A_107 = arith.constant 0 : i32
    %dma_wait3A_108 = tpu.memref_slice %arg2[%mul3A_2, %dma_wait3A_107] : memref<320000x128xf32, #tpu.memory_space<hbm>> -> memref<80x128xf32, #tpu.memory_space<hbm>>
    %dma_wait3A_109 = arith.constant 0 : i32
    %dma_wait3A_110 = arith.constant 0 : i32
    %dma_wait3A_111 = tpu.memref_slice %arg7[%dma_wait3A_102, %dma_wait3A_109, %dma_wait3A_110] : memref<3x80x128xf32, #tpu.memory_space<vmem>> -> memref<1x80x128xf32, #tpu.memory_space<vmem>>
    %dma_wait3A_112 = tpu.memref_squeeze %dma_wait3A_111 : memref<1x80x128xf32, #tpu.memory_space<vmem>> -> memref<80x128xf32, #tpu.memory_space<vmem>>
    %dma_wait3A_113 = arith.constant 0 : i32
    %dma_wait3A_114 = tpu.memref_slice %arg2[%mul3A_2, %dma_wait3A_113] : memref<320000x128xf32, #tpu.memory_space<hbm>> -> memref<80x128xf32, #tpu.memory_space<hbm>>
    tpu.wait_dma2 semaphore(%arg10 : memref<!tpu.dma_semaphore, #tpu.memory_space<semaphore_mem>>) src(%dma_wait3A_114 : memref<80x128xf32, #tpu.memory_space<hbm>>) dst(%dma_wait3A_112 : memref<80x128xf32, #tpu.memory_space<vmem>>)
    %dma_start3A_115 = arith.constant 1 : i32
    %dma_start3A_116 = arith.constant 1 : i32
    %dma_start3A_117 = arith.constant 0 : i32
    %dma_start3A_118 = arith.constant 0 : i32
    %dma_start3A_119 = tpu.memref_slice %arg7[%dma_start3A_115, %dma_start3A_117, %dma_start3A_118] : memref<3x80x128xf32, #tpu.memory_space<vmem>> -> memref<1x80x128xf32, #tpu.memory_space<vmem>>
    %dma_start3A_120 = tpu.memref_squeeze %dma_start3A_119 : memref<1x80x128xf32, #tpu.memory_space<vmem>> -> memref<80x128xf32, #tpu.memory_space<vmem>>
    %dma_start3A_121 = arith.constant 0 : i32
    %dma_start3A_122 = tpu.memref_slice %arg6[%dma_start3A_116, %dma_start3A_121] : memref<125x80xi32, #tpu.memory_space<vmem>> -> memref<1x80xi32, #tpu.memory_space<vmem>>
    %dma_start3A_123 = tpu.memref_squeeze %dma_start3A_122 : memref<1x80xi32, #tpu.memory_space<vmem>> -> memref<80xi32, #tpu.memory_space<vmem>>
    %dma_start3A_124 = arith.constant 0 : i32
    %dma_start3A_125 = arith.constant 0 : i32
    %dma_start3A_126 = tpu.memref_slice %arg5[%dma_start3A_124, %dma_start3A_125] : memref<10000x128xf32, #tpu.memory_space<vmem_shared>> -> memref<10000x128xf32, #tpu.memory_space<vmem_shared>>
    tpu.enqueue_indirect_dma source(%dma_start3A_120 : memref<80x128xf32, #tpu.memory_space<vmem>>) target(%dma_start3A_126 : memref<10000x128xf32, #tpu.memory_space<vmem_shared>>) offsets(%dma_start3A_123 : memref<80xi32, #tpu.memory_space<vmem>>) semaphore(%arg13 : memref<!tpu.dma_semaphore, #tpu.memory_space<semaphore_mem>>) {add = true}
    %dma_wait3A_127 = arith.constant 0 : i32
    %dma_wait3A_128 = arith.constant 0 : i32
    %dma_wait3A_129 = arith.constant 0 : i32
    %dma_wait3A_130 = tpu.memref_slice %arg7[%dma_wait3A_127, %dma_wait3A_128, %dma_wait3A_129] : memref<3x80x128xf32, #tpu.memory_space<vmem>> -> memref<1x80x128xf32, #tpu.memory_space<vmem>>
    %dma_wait3A_131 = tpu.memref_squeeze %dma_wait3A_130 : memref<1x80x128xf32, #tpu.memory_space<vmem>> -> memref<80x128xf32, #tpu.memory_space<vmem>>
    %dma_wait3A_132 = arith.constant 0 : i32
    %dma_wait3A_133 = tpu.memref_slice %arg2[%mul3A_2, %dma_wait3A_132] : memref<320000x128xf32, #tpu.memory_space<hbm>> -> memref<80x128xf32, #tpu.memory_space<hbm>>
    %dma_wait3A_134 = arith.constant 0 : i32
    %dma_wait3A_135 = arith.constant 0 : i32
    %dma_wait3A_136 = tpu.memref_slice %arg7[%dma_wait3A_127, %dma_wait3A_134, %dma_wait3A_135] : memref<3x80x128xf32, #tpu.memory_space<vmem>> -> memref<1x80x128xf32, #tpu.memory_space<vmem>>
    %dma_wait3A_137 = tpu.memref_squeeze %dma_wait3A_136 : memref<1x80x128xf32, #tpu.memory_space<vmem>> -> memref<80x128xf32, #tpu.memory_space<vmem>>
    %dma_wait3A_138 = arith.constant 0 : i32
    %dma_wait3A_139 = tpu.memref_slice %arg2[%mul3A_2, %dma_wait3A_138] : memref<320000x128xf32, #tpu.memory_space<hbm>> -> memref<80x128xf32, #tpu.memory_space<hbm>>
    tpu.wait_dma2 semaphore(%arg12 : memref<!tpu.dma_semaphore, #tpu.memory_space<semaphore_mem>>) src(%dma_wait3A_139 : memref<80x128xf32, #tpu.memory_space<hbm>>) dst(%dma_wait3A_137 : memref<80x128xf32, #tpu.memory_space<vmem>>)
    %add3A_140 = arith.constant 240 : i32
    %add3A_141 = arith.addi %mul3A_2, %add3A_140 : i32
    %dma_start3A_142 = arith.constant 0 : i32
    %dma_start3A_143 = arith.constant 0 : i32
    %dma_start3A_144 = arith.constant 0 : i32
    %dma_start3A_145 = tpu.memref_slice %arg7[%dma_start3A_142, %dma_start3A_143, %dma_start3A_144] : memref<3x80x128xf32, #tpu.memory_space<vmem>> -> memref<1x80x128xf32, #tpu.memory_space<vmem>>
    %dma_start3A_146 = tpu.memref_squeeze %dma_start3A_145 : memref<1x80x128xf32, #tpu.memory_space<vmem>> -> memref<80x128xf32, #tpu.memory_space<vmem>>
    %dma_start3A_147 = arith.constant 0 : i32
    %dma_start3A_148 = tpu.memref_slice %arg2[%add3A_141, %dma_start3A_147] : memref<320000x128xf32, #tpu.memory_space<hbm>> -> memref<80x128xf32, #tpu.memory_space<hbm>>
    %dma_start3A_149 = arith.constant 0 : i32
    %dma_start3A_150 = arith.constant 0 : i32
    %dma_start3A_151 = tpu.memref_slice %arg7[%dma_start3A_142, %dma_start3A_149, %dma_start3A_150] : memref<3x80x128xf32, #tpu.memory_space<vmem>> -> memref<1x80x128xf32, #tpu.memory_space<vmem>>
    %dma_start3A_152 = tpu.memref_squeeze %dma_start3A_151 : memref<1x80x128xf32, #tpu.memory_space<vmem>> -> memref<80x128xf32, #tpu.memory_space<vmem>>
    %dma_start3A_153 = arith.constant 0 : i32
    %dma_start3A_154 = tpu.memref_slice %arg2[%add3A_141, %dma_start3A_153] : memref<320000x128xf32, #tpu.memory_space<hbm>> -> memref<80x128xf32, #tpu.memory_space<hbm>>
    tpu.enqueue_dma source(%dma_start3A_154 : memref<80x128xf32, #tpu.memory_space<hbm>>) target(%dma_start3A_152 : memref<80x128xf32, #tpu.memory_space<vmem>>) target_semaphore(%arg9 : memref<!tpu.dma_semaphore, #tpu.memory_space<semaphore_mem>>)
    %dma_wait3A_155 = arith.constant 2 : i32
    %dma_wait3A_156 = arith.constant 0 : i32
    %dma_wait3A_157 = arith.constant 0 : i32
    %dma_wait3A_158 = tpu.memref_slice %arg7[%dma_wait3A_155, %dma_wait3A_156, %dma_wait3A_157] : memref<3x80x128xf32, #tpu.memory_space<vmem>> -> memref<1x80x128xf32, #tpu.memory_space<vmem>>
    %dma_wait3A_159 = tpu.memref_squeeze %dma_wait3A_158 : memref<1x80x128xf32, #tpu.memory_space<vmem>> -> memref<80x128xf32, #tpu.memory_space<vmem>>
    %dma_wait3A_160 = arith.constant 0 : i32
    %dma_wait3A_161 = tpu.memref_slice %arg2[%mul3A_2, %dma_wait3A_160] : memref<320000x128xf32, #tpu.memory_space<hbm>> -> memref<80x128xf32, #tpu.memory_space<hbm>>
    %dma_wait3A_162 = arith.constant 0 : i32
    %dma_wait3A_163 = arith.constant 0 : i32
    %dma_wait3A_164 = tpu.memref_slice %arg7[%dma_wait3A_155, %dma_wait3A_162, %dma_wait3A_163] : memref<3x80x128xf32, #tpu.memory_space<vmem>> -> memref<1x80x128xf32, #tpu.memory_space<vmem>>
    %dma_wait3A_165 = tpu.memref_squeeze %dma_wait3A_164 : memref<1x80x128xf32, #tpu.memory_space<vmem>> -> memref<80x128xf32, #tpu.memory_space<vmem>>
    %dma_wait3A_166 = arith.constant 0 : i32
    %dma_wait3A_167 = tpu.memref_slice %arg2[%mul3A_2, %dma_wait3A_166] : memref<320000x128xf32, #tpu.memory_space<hbm>> -> memref<80x128xf32, #tpu.memory_space<hbm>>
    tpu.wait_dma2 semaphore(%arg11 : memref<!tpu.dma_semaphore, #tpu.memory_space<semaphore_mem>>) src(%dma_wait3A_167 : memref<80x128xf32, #tpu.memory_space<hbm>>) dst(%dma_wait3A_165 : memref<80x128xf32, #tpu.memory_space<vmem>>)
    %dma_start3A_168 = arith.constant 2 : i32
    %dma_start3A_169 = arith.constant 2 : i32
    %dma_start3A_170 = arith.constant 0 : i32
    %dma_start3A_171 = arith.constant 0 : i32
    %dma_start3A_172 = tpu.memref_slice %arg7[%dma_start3A_168, %dma_start3A_170, %dma_start3A_171] : memref<3x80x128xf32, #tpu.memory_space<vmem>> -> memref<1x80x128xf32, #tpu.memory_space<vmem>>
    %dma_start3A_173 = tpu.memref_squeeze %dma_start3A_172 : memref<1x80x128xf32, #tpu.memory_space<vmem>> -> memref<80x128xf32, #tpu.memory_space<vmem>>
    %dma_start3A_174 = arith.constant 0 : i32
    %dma_start3A_175 = tpu.memref_slice %arg6[%dma_start3A_169, %dma_start3A_174] : memref<125x80xi32, #tpu.memory_space<vmem>> -> memref<1x80xi32, #tpu.memory_space<vmem>>
    %dma_start3A_176 = tpu.memref_squeeze %dma_start3A_175 : memref<1x80xi32, #tpu.memory_space<vmem>> -> memref<80xi32, #tpu.memory_space<vmem>>
    %dma_start3A_177 = arith.constant 0 : i32
    %dma_start3A_178 = arith.constant 0 : i32
    %dma_start3A_179 = tpu.memref_slice %arg5[%dma_start3A_177, %dma_start3A_178] : memref<10000x128xf32, #tpu.memory_space<vmem_shared>> -> memref<10000x128xf32, #tpu.memory_space<vmem_shared>>
    tpu.enqueue_indirect_dma source(%dma_start3A_173 : memref<80x128xf32, #tpu.memory_space<vmem>>) target(%dma_start3A_179 : memref<10000x128xf32, #tpu.memory_space<vmem_shared>>) offsets(%dma_start3A_176 : memref<80xi32, #tpu.memory_space<vmem>>) semaphore(%arg14 : memref<!tpu.dma_semaphore, #tpu.memory_space<semaphore_mem>>) {add = true}
    %dma_wait3A_180 = arith.constant 1 : i32
    %dma_wait3A_181 = arith.constant 0 : i32
    %dma_wait3A_182 = arith.constant 0 : i32
    %dma_wait3A_183 = tpu.memref_slice %arg7[%dma_wait3A_180, %dma_wait3A_181, %dma_wait3A_182] : memref<3x80x128xf32, #tpu.memory_space<vmem>> -> memref<1x80x128xf32, #tpu.memory_space<vmem>>
    %dma_wait3A_184 = tpu.memref_squeeze %dma_wait3A_183 : memref<1x80x128xf32, #tpu.memory_space<vmem>> -> memref<80x128xf32, #tpu.memory_space<vmem>>
    %dma_wait3A_185 = arith.constant 0 : i32
    %dma_wait3A_186 = tpu.memref_slice %arg2[%mul3A_2, %dma_wait3A_185] : memref<320000x128xf32, #tpu.memory_space<hbm>> -> memref<80x128xf32, #tpu.memory_space<hbm>>
    %dma_wait3A_187 = arith.constant 0 : i32
    %dma_wait3A_188 = arith.constant 0 : i32
    %dma_wait3A_189 = tpu.memref_slice %arg7[%dma_wait3A_180, %dma_wait3A_187, %dma_wait3A_188] : memref<3x80x128xf32, #tpu.memory_space<vmem>> -> memref<1x80x128xf32, #tpu.memory_space<vmem>>
    %dma_wait3A_190 = tpu.memref_squeeze %dma_wait3A_189 : memref<1x80x128xf32, #tpu.memory_space<vmem>> -> memref<80x128xf32, #tpu.memory_space<vmem>>
    %dma_wait3A_191 = arith.constant 0 : i32
    %dma_wait3A_192 = tpu.memref_slice %arg2[%mul3A_2, %dma_wait3A_191] : memref<320000x128xf32, #tpu.memory_space<hbm>> -> memref<80x128xf32, #tpu.memory_space<hbm>>
    tpu.wait_dma2 semaphore(%arg13 : memref<!tpu.dma_semaphore, #tpu.memory_space<semaphore_mem>>) src(%dma_wait3A_192 : memref<80x128xf32, #tpu.memory_space<hbm>>) dst(%dma_wait3A_190 : memref<80x128xf32, #tpu.memory_space<vmem>>)
    %add3A_193 = arith.constant 320 : i32
    %add3A_194 = arith.addi %mul3A_2, %add3A_193 : i32
    %dma_start3A_195 = arith.constant 1 : i32
    %dma_start3A_196 = arith.constant 0 : i32
    %dma_start3A_197 = arith.constant 0 : i32
    %dma_start3A_198 = tpu.memref_slice %arg7[%dma_start3A_195, %dma_start3A_196, %dma_start3A_197] : memref<3x80x128xf32, #tpu.memory_space<vmem>> -> memref<1x80x128xf32, #tpu.memory_space<vmem>>
    %dma_start3A_199 = tpu.memref_squeeze %dma_start3A_198 : memref<1x80x128xf32, #tpu.memory_space<vmem>> -> memref<80x128xf32, #tpu.memory_space<vmem>>
    %dma_start3A_200 = arith.constant 0 : i32
    %dma_start3A_201 = tpu.memref_slice %arg2[%add3A_194, %dma_start3A_200] : memref<320000x128xf32, #tpu.memory_space<hbm>> -> memref<80x128xf32, #tpu.memory_space<hbm>>
    %dma_start3A_202 = arith.constant 0 : i32
    %dma_start3A_203 = arith.constant 0 : i32
    %dma_start3A_204 = tpu.memref_slice %arg7[%dma_start3A_195, %dma_start3A_202, %dma_start3A_203] : memref<3x80x128xf32, #tpu.memory_space<vmem>> -> memref<1x80x128xf32, #tpu.memory_space<vmem>>
    %dma_start3A_205 = tpu.memref_squeeze %dma_start3A_204 : memref<1x80x128xf32, #tpu.memory_space<vmem>> -> memref<80x128xf32, #tpu.memory_space<vmem>>
    %dma_start3A_206 = arith.constant 0 : i32
    %dma_start3A_207 = tpu.memref_slice %arg2[%add3A_194, %dma_start3A_206] : memref<320000x128xf32, #tpu.memory_space<hbm>> -> memref<80x128xf32, #tpu.memory_space<hbm>>
    tpu.enqueue_dma source(%dma_start3A_207 : memref<80x128xf32, #tpu.memory_space<hbm>>) target(%dma_start3A_205 : memref<80x128xf32, #tpu.memory_space<vmem>>) target_semaphore(%arg10 : memref<!tpu.dma_semaphore, #tpu.memory_space<semaphore_mem>>)
    %scan3A_208 = arith.constant 0 : i32
    %scan3A_209 = arith.constant 1 : i32
    %scan3A_210 = arith.constant 40 : i32
    %scan3A_211 = arith.addi %scan3A_209, %scan3A_210 : i32
    %scan3A_212 = arith.constant 1 : i32
    %scan3A_213 = scf.for %scan3A_315 = %scan3A_209 to %scan3A_211 step %scan3A_212 iter_args(%scan3A_316 = %scan3A_208) -> (i32)  : i32 {
      %mul3A_317 = arith.constant 3 : i32
      %mul3A_318 = arith.muli %mul3A_317, %scan3A_315 : i32
      %dma_wait3A_319 = arith.constant 0 : i32
      %dma_wait3A_320 = arith.constant 0 : i32
      %dma_wait3A_321 = arith.constant 0 : i32
      %dma_wait3A_322 = tpu.memref_slice %arg7[%dma_wait3A_319, %dma_wait3A_320, %dma_wait3A_321] : memref<3x80x128xf32, #tpu.memory_space<vmem>> -> memref<1x80x128xf32, #tpu.memory_space<vmem>>
      %dma_wait3A_323 = tpu.memref_squeeze %dma_wait3A_322 : memref<1x80x128xf32, #tpu.memory_space<vmem>> -> memref<80x128xf32, #tpu.memory_space<vmem>>
      %dma_wait3A_324 = arith.constant 0 : i32
      %dma_wait3A_325 = tpu.memref_slice %arg2[%mul3A_2, %dma_wait3A_324] : memref<320000x128xf32, #tpu.memory_space<hbm>> -> memref<80x128xf32, #tpu.memory_space<hbm>>
      %dma_wait3A_326 = arith.constant 0 : i32
      %dma_wait3A_327 = arith.constant 0 : i32
      %dma_wait3A_328 = tpu.memref_slice %arg7[%dma_wait3A_319, %dma_wait3A_326, %dma_wait3A_327] : memref<3x80x128xf32, #tpu.memory_space<vmem>> -> memref<1x80x128xf32, #tpu.memory_space<vmem>>
      %dma_wait3A_329 = tpu.memref_squeeze %dma_wait3A_328 : memref<1x80x128xf32, #tpu.memory_space<vmem>> -> memref<80x128xf32, #tpu.memory_space<vmem>>
      %dma_wait3A_330 = arith.constant 0 : i32
      %dma_wait3A_331 = tpu.memref_slice %arg2[%mul3A_2, %dma_wait3A_330] : memref<320000x128xf32, #tpu.memory_space<hbm>> -> memref<80x128xf32, #tpu.memory_space<hbm>>
      tpu.wait_dma2 semaphore(%arg9 : memref<!tpu.dma_semaphore, #tpu.memory_space<semaphore_mem>>) src(%dma_wait3A_331 : memref<80x128xf32, #tpu.memory_space<hbm>>) dst(%dma_wait3A_329 : memref<80x128xf32, #tpu.memory_space<vmem>>)
      %dma_start3A_332 = arith.constant 0 : i32
      %dma_start3A_333 = arith.constant 0 : i32
      %dma_start3A_334 = arith.constant 0 : i32
      %dma_start3A_335 = tpu.memref_slice %arg7[%dma_start3A_332, %dma_start3A_333, %dma_start3A_334] : memref<3x80x128xf32, #tpu.memory_space<vmem>> -> memref<1x80x128xf32, #tpu.memory_space<vmem>>
      %dma_start3A_336 = tpu.memref_squeeze %dma_start3A_335 : memref<1x80x128xf32, #tpu.memory_space<vmem>> -> memref<80x128xf32, #tpu.memory_space<vmem>>
      %dma_start3A_337 = arith.constant 0 : i32
      %dma_start3A_338 = tpu.memref_slice %arg6[%mul3A_318, %dma_start3A_337] : memref<125x80xi32, #tpu.memory_space<vmem>> -> memref<1x80xi32, #tpu.memory_space<vmem>>
      %dma_start3A_339 = tpu.memref_squeeze %dma_start3A_338 : memref<1x80xi32, #tpu.memory_space<vmem>> -> memref<80xi32, #tpu.memory_space<vmem>>
      %dma_start3A_340 = arith.constant 0 : i32
      %dma_start3A_341 = arith.constant 0 : i32
      %dma_start3A_342 = tpu.memref_slice %arg5[%dma_start3A_340, %dma_start3A_341] : memref<10000x128xf32, #tpu.memory_space<vmem_shared>> -> memref<10000x128xf32, #tpu.memory_space<vmem_shared>>
      tpu.enqueue_indirect_dma source(%dma_start3A_336 : memref<80x128xf32, #tpu.memory_space<vmem>>) target(%dma_start3A_342 : memref<10000x128xf32, #tpu.memory_space<vmem_shared>>) offsets(%dma_start3A_339 : memref<80xi32, #tpu.memory_space<vmem>>) semaphore(%arg12 : memref<!tpu.dma_semaphore, #tpu.memory_space<semaphore_mem>>) {add = true}
      %dma_wait3A_343 = arith.constant 2 : i32
      %dma_wait3A_344 = arith.constant 0 : i32
      %dma_wait3A_345 = arith.constant 0 : i32
      %dma_wait3A_346 = tpu.memref_slice %arg7[%dma_wait3A_343, %dma_wait3A_344, %dma_wait3A_345] : memref<3x80x128xf32, #tpu.memory_space<vmem>> -> memref<1x80x128xf32, #tpu.memory_space<vmem>>
      %dma_wait3A_347 = tpu.memref_squeeze %dma_wait3A_346 : memref<1x80x128xf32, #tpu.memory_space<vmem>> -> memref<80x128xf32, #tpu.memory_space<vmem>>
      %dma_wait3A_348 = arith.constant 0 : i32
      %dma_wait3A_349 = tpu.memref_slice %arg2[%mul3A_2, %dma_wait3A_348] : memref<320000x128xf32, #tpu.memory_space<hbm>> -> memref<80x128xf32, #tpu.memory_space<hbm>>
      %dma_wait3A_350 = arith.constant 0 : i32
      %dma_wait3A_351 = arith.constant 0 : i32
      %dma_wait3A_352 = tpu.memref_slice %arg7[%dma_wait3A_343, %dma_wait3A_350, %dma_wait3A_351] : memref<3x80x128xf32, #tpu.memory_space<vmem>> -> memref<1x80x128xf32, #tpu.memory_space<vmem>>
      %dma_wait3A_353 = tpu.memref_squeeze %dma_wait3A_352 : memref<1x80x128xf32, #tpu.memory_space<vmem>> -> memref<80x128xf32, #tpu.memory_space<vmem>>
      %dma_wait3A_354 = arith.constant 0 : i32
      %dma_wait3A_355 = tpu.memref_slice %arg2[%mul3A_2, %dma_wait3A_354] : memref<320000x128xf32, #tpu.memory_space<hbm>> -> memref<80x128xf32, #tpu.memory_space<hbm>>
      tpu.wait_dma2 semaphore(%arg14 : memref<!tpu.dma_semaphore, #tpu.memory_space<semaphore_mem>>) src(%dma_wait3A_355 : memref<80x128xf32, #tpu.memory_space<hbm>>) dst(%dma_wait3A_353 : memref<80x128xf32, #tpu.memory_space<vmem>>)
      %add3A_356 = arith.constant 2 : i32
      %add3A_357 = arith.addi %mul3A_318, %add3A_356 : i32
      %mul3A_358 = arith.constant 80 : i32
      %mul3A_359 = arith.muli %add3A_357, %mul3A_358 : i32
      %add3A_360 = arith.addi %mul3A_2, %mul3A_359 : i32
      %dma_start3A_361 = arith.constant 2 : i32
      %dma_start3A_362 = arith.constant 0 : i32
      %dma_start3A_363 = arith.constant 0 : i32
      %dma_start3A_364 = tpu.memref_slice %arg7[%dma_start3A_361, %dma_start3A_362, %dma_start3A_363] : memref<3x80x128xf32, #tpu.memory_space<vmem>> -> memref<1x80x128xf32, #tpu.memory_space<vmem>>
      %dma_start3A_365 = tpu.memref_squeeze %dma_start3A_364 : memref<1x80x128xf32, #tpu.memory_space<vmem>> -> memref<80x128xf32, #tpu.memory_space<vmem>>
      %dma_start3A_366 = arith.constant 0 : i32
      %dma_start3A_367 = tpu.memref_slice %arg2[%add3A_360, %dma_start3A_366] : memref<320000x128xf32, #tpu.memory_space<hbm>> -> memref<80x128xf32, #tpu.memory_space<hbm>>
      %dma_start3A_368 = arith.constant 0 : i32
      %dma_start3A_369 = arith.constant 0 : i32
      %dma_start3A_370 = tpu.memref_slice %arg7[%dma_start3A_361, %dma_start3A_368, %dma_start3A_369] : memref<3x80x128xf32, #tpu.memory_space<vmem>> -> memref<1x80x128xf32, #tpu.memory_space<vmem>>
      %dma_start3A_371 = tpu.memref_squeeze %dma_start3A_370 : memref<1x80x128xf32, #tpu.memory_space<vmem>> -> memref<80x128xf32, #tpu.memory_space<vmem>>
      %dma_start3A_372 = arith.constant 0 : i32
      %dma_start3A_373 = tpu.memref_slice %arg2[%add3A_360, %dma_start3A_372] : memref<320000x128xf32, #tpu.memory_space<hbm>> -> memref<80x128xf32, #tpu.memory_space<hbm>>
      tpu.enqueue_dma source(%dma_start3A_373 : memref<80x128xf32, #tpu.memory_space<hbm>>) target(%dma_start3A_371 : memref<80x128xf32, #tpu.memory_space<vmem>>) target_semaphore(%arg11 : memref<!tpu.dma_semaphore, #tpu.memory_space<semaphore_mem>>)
      %add3A_374 = arith.constant 1 : i32
      %add3A_375 = arith.addi %mul3A_318, %add3A_374 : i32
      %dma_wait3A_376 = arith.constant 1 : i32
      %dma_wait3A_377 = arith.constant 0 : i32
      %dma_wait3A_378 = arith.constant 0 : i32
      %dma_wait3A_379 = tpu.memref_slice %arg7[%dma_wait3A_376, %dma_wait3A_377, %dma_wait3A_378] : memref<3x80x128xf32, #tpu.memory_space<vmem>> -> memref<1x80x128xf32, #tpu.memory_space<vmem>>
      %dma_wait3A_380 = tpu.memref_squeeze %dma_wait3A_379 : memref<1x80x128xf32, #tpu.memory_space<vmem>> -> memref<80x128xf32, #tpu.memory_space<vmem>>
      %dma_wait3A_381 = arith.constant 0 : i32
      %dma_wait3A_382 = tpu.memref_slice %arg2[%mul3A_2, %dma_wait3A_381] : memref<320000x128xf32, #tpu.memory_space<hbm>> -> memref<80x128xf32, #tpu.memory_space<hbm>>
      %dma_wait3A_383 = arith.constant 0 : i32
      %dma_wait3A_384 = arith.constant 0 : i32
      %dma_wait3A_385 = tpu.memref_slice %arg7[%dma_wait3A_376, %dma_wait3A_383, %dma_wait3A_384] : memref<3x80x128xf32, #tpu.memory_space<vmem>> -> memref<1x80x128xf32, #tpu.memory_space<vmem>>
      %dma_wait3A_386 = tpu.memref_squeeze %dma_wait3A_385 : memref<1x80x128xf32, #tpu.memory_space<vmem>> -> memref<80x128xf32, #tpu.memory_space<vmem>>
      %dma_wait3A_387 = arith.constant 0 : i32
      %dma_wait3A_388 = tpu.memref_slice %arg2[%mul3A_2, %dma_wait3A_387] : memref<320000x128xf32, #tpu.memory_space<hbm>> -> memref<80x128xf32, #tpu.memory_space<hbm>>
      tpu.wait_dma2 semaphore(%arg10 : memref<!tpu.dma_semaphore, #tpu.memory_space<semaphore_mem>>) src(%dma_wait3A_388 : memref<80x128xf32, #tpu.memory_space<hbm>>) dst(%dma_wait3A_386 : memref<80x128xf32, #tpu.memory_space<vmem>>)
      %dma_start3A_389 = arith.constant 1 : i32
      %dma_start3A_390 = arith.constant 0 : i32
      %dma_start3A_391 = arith.constant 0 : i32
      %dma_start3A_392 = tpu.memref_slice %arg7[%dma_start3A_389, %dma_start3A_390, %dma_start3A_391] : memref<3x80x128xf32, #tpu.memory_space<vmem>> -> memref<1x80x128xf32, #tpu.memory_space<vmem>>
      %dma_start3A_393 = tpu.memref_squeeze %dma_start3A_392 : memref<1x80x128xf32, #tpu.memory_space<vmem>> -> memref<80x128xf32, #tpu.memory_space<vmem>>
      %dma_start3A_394 = arith.constant 0 : i32
      %dma_start3A_395 = tpu.memref_slice %arg6[%add3A_375, %dma_start3A_394] : memref<125x80xi32, #tpu.memory_space<vmem>> -> memref<1x80xi32, #tpu.memory_space<vmem>>
      %dma_start3A_396 = tpu.memref_squeeze %dma_start3A_395 : memref<1x80xi32, #tpu.memory_space<vmem>> -> memref<80xi32, #tpu.memory_space<vmem>>
      %dma_start3A_397 = arith.constant 0 : i32
      %dma_start3A_398 = arith.constant 0 : i32
      %dma_start3A_399 = tpu.memref_slice %arg5[%dma_start3A_397, %dma_start3A_398] : memref<10000x128xf32, #tpu.memory_space<vmem_shared>> -> memref<10000x128xf32, #tpu.memory_space<vmem_shared>>
      tpu.enqueue_indirect_dma source(%dma_start3A_393 : memref<80x128xf32, #tpu.memory_space<vmem>>) target(%dma_start3A_399 : memref<10000x128xf32, #tpu.memory_space<vmem_shared>>) offsets(%dma_start3A_396 : memref<80xi32, #tpu.memory_space<vmem>>) semaphore(%arg13 : memref<!tpu.dma_semaphore, #tpu.memory_space<semaphore_mem>>) {add = true}
      %dma_wait3A_400 = arith.constant 0 : i32
      %dma_wait3A_401 = arith.constant 0 : i32
      %dma_wait3A_402 = arith.constant 0 : i32
      %dma_wait3A_403 = tpu.memref_slice %arg7[%dma_wait3A_400, %dma_wait3A_401, %dma_wait3A_402] : memref<3x80x128xf32, #tpu.memory_space<vmem>> -> memref<1x80x128xf32, #tpu.memory_space<vmem>>
      %dma_wait3A_404 = tpu.memref_squeeze %dma_wait3A_403 : memref<1x80x128xf32, #tpu.memory_space<vmem>> -> memref<80x128xf32, #tpu.memory_space<vmem>>
      %dma_wait3A_405 = arith.constant 0 : i32
      %dma_wait3A_406 = tpu.memref_slice %arg2[%mul3A_2, %dma_wait3A_405] : memref<320000x128xf32, #tpu.memory_space<hbm>> -> memref<80x128xf32, #tpu.memory_space<hbm>>
      %dma_wait3A_407 = arith.constant 0 : i32
      %dma_wait3A_408 = arith.constant 0 : i32
      %dma_wait3A_409 = tpu.memref_slice %arg7[%dma_wait3A_400, %dma_wait3A_407, %dma_wait3A_408] : memref<3x80x128xf32, #tpu.memory_space<vmem>> -> memref<1x80x128xf32, #tpu.memory_space<vmem>>
      %dma_wait3A_410 = tpu.memref_squeeze %dma_wait3A_409 : memref<1x80x128xf32, #tpu.memory_space<vmem>> -> memref<80x128xf32, #tpu.memory_space<vmem>>
      %dma_wait3A_411 = arith.constant 0 : i32
      %dma_wait3A_412 = tpu.memref_slice %arg2[%mul3A_2, %dma_wait3A_411] : memref<320000x128xf32, #tpu.memory_space<hbm>> -> memref<80x128xf32, #tpu.memory_space<hbm>>
      tpu.wait_dma2 semaphore(%arg12 : memref<!tpu.dma_semaphore, #tpu.memory_space<semaphore_mem>>) src(%dma_wait3A_412 : memref<80x128xf32, #tpu.memory_space<hbm>>) dst(%dma_wait3A_410 : memref<80x128xf32, #tpu.memory_space<vmem>>)
      %add3A_413 = arith.constant 2 : i32
      %add3A_414 = arith.addi %add3A_375, %add3A_413 : i32
      %mul3A_415 = arith.constant 80 : i32
      %mul3A_416 = arith.muli %add3A_414, %mul3A_415 : i32
      %add3A_417 = arith.addi %mul3A_2, %mul3A_416 : i32
      %dma_start3A_418 = arith.constant 0 : i32
      %dma_start3A_419 = arith.constant 0 : i32
      %dma_start3A_420 = arith.constant 0 : i32
      %dma_start3A_421 = tpu.memref_slice %arg7[%dma_start3A_418, %dma_start3A_419, %dma_start3A_420] : memref<3x80x128xf32, #tpu.memory_space<vmem>> -> memref<1x80x128xf32, #tpu.memory_space<vmem>>
      %dma_start3A_422 = tpu.memref_squeeze %dma_start3A_421 : memref<1x80x128xf32, #tpu.memory_space<vmem>> -> memref<80x128xf32, #tpu.memory_space<vmem>>
      %dma_start3A_423 = arith.constant 0 : i32
      %dma_start3A_424 = tpu.memref_slice %arg2[%add3A_417, %dma_start3A_423] : memref<320000x128xf32, #tpu.memory_space<hbm>> -> memref<80x128xf32, #tpu.memory_space<hbm>>
      %dma_start3A_425 = arith.constant 0 : i32
      %dma_start3A_426 = arith.constant 0 : i32
      %dma_start3A_427 = tpu.memref_slice %arg7[%dma_start3A_418, %dma_start3A_425, %dma_start3A_426] : memref<3x80x128xf32, #tpu.memory_space<vmem>> -> memref<1x80x128xf32, #tpu.memory_space<vmem>>
      %dma_start3A_428 = tpu.memref_squeeze %dma_start3A_427 : memref<1x80x128xf32, #tpu.memory_space<vmem>> -> memref<80x128xf32, #tpu.memory_space<vmem>>
      %dma_start3A_429 = arith.constant 0 : i32
      %dma_start3A_430 = tpu.memref_slice %arg2[%add3A_417, %dma_start3A_429] : memref<320000x128xf32, #tpu.memory_space<hbm>> -> memref<80x128xf32, #tpu.memory_space<hbm>>
      tpu.enqueue_dma source(%dma_start3A_430 : memref<80x128xf32, #tpu.memory_space<hbm>>) target(%dma_start3A_428 : memref<80x128xf32, #tpu.memory_space<vmem>>) target_semaphore(%arg9 : memref<!tpu.dma_semaphore, #tpu.memory_space<semaphore_mem>>)
      %add3A_431 = arith.constant 2 : i32
      %add3A_432 = arith.addi %mul3A_318, %add3A_431 : i32
      %dma_wait3A_433 = arith.constant 2 : i32
      %dma_wait3A_434 = arith.constant 0 : i32
      %dma_wait3A_435 = arith.constant 0 : i32
      %dma_wait3A_436 = tpu.memref_slice %arg7[%dma_wait3A_433, %dma_wait3A_434, %dma_wait3A_435] : memref<3x80x128xf32, #tpu.memory_space<vmem>> -> memref<1x80x128xf32, #tpu.memory_space<vmem>>
      %dma_wait3A_437 = tpu.memref_squeeze %dma_wait3A_436 : memref<1x80x128xf32, #tpu.memory_space<vmem>> -> memref<80x128xf32, #tpu.memory_space<vmem>>
      %dma_wait3A_438 = arith.constant 0 : i32
      %dma_wait3A_439 = tpu.memref_slice %arg2[%mul3A_2, %dma_wait3A_438] : memref<320000x128xf32, #tpu.memory_space<hbm>> -> memref<80x128xf32, #tpu.memory_space<hbm>>
      %dma_wait3A_440 = arith.constant 0 : i32
      %dma_wait3A_441 = arith.constant 0 : i32
      %dma_wait3A_442 = tpu.memref_slice %arg7[%dma_wait3A_433, %dma_wait3A_440, %dma_wait3A_441] : memref<3x80x128xf32, #tpu.memory_space<vmem>> -> memref<1x80x128xf32, #tpu.memory_space<vmem>>
      %dma_wait3A_443 = tpu.memref_squeeze %dma_wait3A_442 : memref<1x80x128xf32, #tpu.memory_space<vmem>> -> memref<80x128xf32, #tpu.memory_space<vmem>>
      %dma_wait3A_444 = arith.constant 0 : i32
      %dma_wait3A_445 = tpu.memref_slice %arg2[%mul3A_2, %dma_wait3A_444] : memref<320000x128xf32, #tpu.memory_space<hbm>> -> memref<80x128xf32, #tpu.memory_space<hbm>>
      tpu.wait_dma2 semaphore(%arg11 : memref<!tpu.dma_semaphore, #tpu.memory_space<semaphore_mem>>) src(%dma_wait3A_445 : memref<80x128xf32, #tpu.memory_space<hbm>>) dst(%dma_wait3A_443 : memref<80x128xf32, #tpu.memory_space<vmem>>)
      %dma_start3A_446 = arith.constant 2 : i32
      %dma_start3A_447 = arith.constant 0 : i32
      %dma_start3A_448 = arith.constant 0 : i32
      %dma_start3A_449 = tpu.memref_slice %arg7[%dma_start3A_446, %dma_start3A_447, %dma_start3A_448] : memref<3x80x128xf32, #tpu.memory_space<vmem>> -> memref<1x80x128xf32, #tpu.memory_space<vmem>>
      %dma_start3A_450 = tpu.memref_squeeze %dma_start3A_449 : memref<1x80x128xf32, #tpu.memory_space<vmem>> -> memref<80x128xf32, #tpu.memory_space<vmem>>
      %dma_start3A_451 = arith.constant 0 : i32
      %dma_start3A_452 = tpu.memref_slice %arg6[%add3A_432, %dma_start3A_451] : memref<125x80xi32, #tpu.memory_space<vmem>> -> memref<1x80xi32, #tpu.memory_space<vmem>>
      %dma_start3A_453 = tpu.memref_squeeze %dma_start3A_452 : memref<1x80xi32, #tpu.memory_space<vmem>> -> memref<80xi32, #tpu.memory_space<vmem>>
      %dma_start3A_454 = arith.constant 0 : i32
      %dma_start3A_455 = arith.constant 0 : i32
      %dma_start3A_456 = tpu.memref_slice %arg5[%dma_start3A_454, %dma_start3A_455] : memref<10000x128xf32, #tpu.memory_space<vmem_shared>> -> memref<10000x128xf32, #tpu.memory_space<vmem_shared>>
      tpu.enqueue_indirect_dma source(%dma_start3A_450 : memref<80x128xf32, #tpu.memory_space<vmem>>) target(%dma_start3A_456 : memref<10000x128xf32, #tpu.memory_space<vmem_shared>>) offsets(%dma_start3A_453 : memref<80xi32, #tpu.memory_space<vmem>>) semaphore(%arg14 : memref<!tpu.dma_semaphore, #tpu.memory_space<semaphore_mem>>) {add = true}
      %dma_wait3A_457 = arith.constant 1 : i32
      %dma_wait3A_458 = arith.constant 0 : i32
      %dma_wait3A_459 = arith.constant 0 : i32
      %dma_wait3A_460 = tpu.memref_slice %arg7[%dma_wait3A_457, %dma_wait3A_458, %dma_wait3A_459] : memref<3x80x128xf32, #tpu.memory_space<vmem>> -> memref<1x80x128xf32, #tpu.memory_space<vmem>>
      %dma_wait3A_461 = tpu.memref_squeeze %dma_wait3A_460 : memref<1x80x128xf32, #tpu.memory_space<vmem>> -> memref<80x128xf32, #tpu.memory_space<vmem>>
      %dma_wait3A_462 = arith.constant 0 : i32
      %dma_wait3A_463 = tpu.memref_slice %arg2[%mul3A_2, %dma_wait3A_462] : memref<320000x128xf32, #tpu.memory_space<hbm>> -> memref<80x128xf32, #tpu.memory_space<hbm>>
      %dma_wait3A_464 = arith.constant 0 : i32
      %dma_wait3A_465 = arith.constant 0 : i32
      %dma_wait3A_466 = tpu.memref_slice %arg7[%dma_wait3A_457, %dma_wait3A_464, %dma_wait3A_465] : memref<3x80x128xf32, #tpu.memory_space<vmem>> -> memref<1x80x128xf32, #tpu.memory_space<vmem>>
      %dma_wait3A_467 = tpu.memref_squeeze %dma_wait3A_466 : memref<1x80x128xf32, #tpu.memory_space<vmem>> -> memref<80x128xf32, #tpu.memory_space<vmem>>
      %dma_wait3A_468 = arith.constant 0 : i32
      %dma_wait3A_469 = tpu.memref_slice %arg2[%mul3A_2, %dma_wait3A_468] : memref<320000x128xf32, #tpu.memory_space<hbm>> -> memref<80x128xf32, #tpu.memory_space<hbm>>
      tpu.wait_dma2 semaphore(%arg13 : memref<!tpu.dma_semaphore, #tpu.memory_space<semaphore_mem>>) src(%dma_wait3A_469 : memref<80x128xf32, #tpu.memory_space<hbm>>) dst(%dma_wait3A_467 : memref<80x128xf32, #tpu.memory_space<vmem>>)
      %add3A_470 = arith.constant 2 : i32
      %add3A_471 = arith.addi %add3A_432, %add3A_470 : i32
      %mul3A_472 = arith.constant 80 : i32
      %mul3A_473 = arith.muli %add3A_471, %mul3A_472 : i32
      %add3A_474 = arith.addi %mul3A_2, %mul3A_473 : i32
      %dma_start3A_475 = arith.constant 1 : i32
      %dma_start3A_476 = arith.constant 0 : i32
      %dma_start3A_477 = arith.constant 0 : i32
      %dma_start3A_478 = tpu.memref_slice %arg7[%dma_start3A_475, %dma_start3A_476, %dma_start3A_477] : memref<3x80x128xf32, #tpu.memory_space<vmem>> -> memref<1x80x128xf32, #tpu.memory_space<vmem>>
      %dma_start3A_479 = tpu.memref_squeeze %dma_start3A_478 : memref<1x80x128xf32, #tpu.memory_space<vmem>> -> memref<80x128xf32, #tpu.memory_space<vmem>>
      %dma_start3A_480 = arith.constant 0 : i32
      %dma_start3A_481 = tpu.memref_slice %arg2[%add3A_474, %dma_start3A_480] : memref<320000x128xf32, #tpu.memory_space<hbm>> -> memref<80x128xf32, #tpu.memory_space<hbm>>
      %dma_start3A_482 = arith.constant 0 : i32
      %dma_start3A_483 = arith.constant 0 : i32
      %dma_start3A_484 = tpu.memref_slice %arg7[%dma_start3A_475, %dma_start3A_482, %dma_start3A_483] : memref<3x80x128xf32, #tpu.memory_space<vmem>> -> memref<1x80x128xf32, #tpu.memory_space<vmem>>
      %dma_start3A_485 = tpu.memref_squeeze %dma_start3A_484 : memref<1x80x128xf32, #tpu.memory_space<vmem>> -> memref<80x128xf32, #tpu.memory_space<vmem>>
      %dma_start3A_486 = arith.constant 0 : i32
      %dma_start3A_487 = tpu.memref_slice %arg2[%add3A_474, %dma_start3A_486] : memref<320000x128xf32, #tpu.memory_space<hbm>> -> memref<80x128xf32, #tpu.memory_space<hbm>>
      tpu.enqueue_dma source(%dma_start3A_487 : memref<80x128xf32, #tpu.memory_space<hbm>>) target(%dma_start3A_485 : memref<80x128xf32, #tpu.memory_space<vmem>>) target_semaphore(%arg10 : memref<!tpu.dma_semaphore, #tpu.memory_space<semaphore_mem>>)
      %scan3A_488 = arith.constant 0 : i32
      scf.yield %scan3A_488 : i32
    }
    %scan3A_214 = arith.constant 40 : i32
    %dma_wait3A_215 = arith.constant 0 : i32
    %dma_wait3A_216 = arith.constant 0 : i32
    %dma_wait3A_217 = arith.constant 0 : i32
    %dma_wait3A_218 = tpu.memref_slice %arg7[%dma_wait3A_215, %dma_wait3A_216, %dma_wait3A_217] : memref<3x80x128xf32, #tpu.memory_space<vmem>> -> memref<1x80x128xf32, #tpu.memory_space<vmem>>
    %dma_wait3A_219 = tpu.memref_squeeze %dma_wait3A_218 : memref<1x80x128xf32, #tpu.memory_space<vmem>> -> memref<80x128xf32, #tpu.memory_space<vmem>>
    %dma_wait3A_220 = arith.constant 0 : i32
    %dma_wait3A_221 = tpu.memref_slice %arg2[%mul3A_2, %dma_wait3A_220] : memref<320000x128xf32, #tpu.memory_space<hbm>> -> memref<80x128xf32, #tpu.memory_space<hbm>>
    %dma_wait3A_222 = arith.constant 0 : i32
    %dma_wait3A_223 = arith.constant 0 : i32
    %dma_wait3A_224 = tpu.memref_slice %arg7[%dma_wait3A_215, %dma_wait3A_222, %dma_wait3A_223] : memref<3x80x128xf32, #tpu.memory_space<vmem>> -> memref<1x80x128xf32, #tpu.memory_space<vmem>>
    %dma_wait3A_225 = tpu.memref_squeeze %dma_wait3A_224 : memref<1x80x128xf32, #tpu.memory_space<vmem>> -> memref<80x128xf32, #tpu.memory_space<vmem>>
    %dma_wait3A_226 = arith.constant 0 : i32
    %dma_wait3A_227 = tpu.memref_slice %arg2[%mul3A_2, %dma_wait3A_226] : memref<320000x128xf32, #tpu.memory_space<hbm>> -> memref<80x128xf32, #tpu.memory_space<hbm>>
    tpu.wait_dma2 semaphore(%arg9 : memref<!tpu.dma_semaphore, #tpu.memory_space<semaphore_mem>>) src(%dma_wait3A_227 : memref<80x128xf32, #tpu.memory_space<hbm>>) dst(%dma_wait3A_225 : memref<80x128xf32, #tpu.memory_space<vmem>>)
    %dma_start3A_228 = arith.constant 0 : i32
    %dma_start3A_229 = arith.constant 123 : i32
    %dma_start3A_230 = arith.constant 0 : i32
    %dma_start3A_231 = arith.constant 0 : i32
    %dma_start3A_232 = tpu.memref_slice %arg7[%dma_start3A_228, %dma_start3A_230, %dma_start3A_231] : memref<3x80x128xf32, #tpu.memory_space<vmem>> -> memref<1x80x128xf32, #tpu.memory_space<vmem>>
    %dma_start3A_233 = tpu.memref_squeeze %dma_start3A_232 : memref<1x80x128xf32, #tpu.memory_space<vmem>> -> memref<80x128xf32, #tpu.memory_space<vmem>>
    %dma_start3A_234 = arith.constant 0 : i32
    %dma_start3A_235 = tpu.memref_slice %arg6[%dma_start3A_229, %dma_start3A_234] : memref<125x80xi32, #tpu.memory_space<vmem>> -> memref<1x80xi32, #tpu.memory_space<vmem>>
    %dma_start3A_236 = tpu.memref_squeeze %dma_start3A_235 : memref<1x80xi32, #tpu.memory_space<vmem>> -> memref<80xi32, #tpu.memory_space<vmem>>
    %dma_start3A_237 = arith.constant 0 : i32
    %dma_start3A_238 = arith.constant 0 : i32
    %dma_start3A_239 = tpu.memref_slice %arg5[%dma_start3A_237, %dma_start3A_238] : memref<10000x128xf32, #tpu.memory_space<vmem_shared>> -> memref<10000x128xf32, #tpu.memory_space<vmem_shared>>
    tpu.enqueue_indirect_dma source(%dma_start3A_233 : memref<80x128xf32, #tpu.memory_space<vmem>>) target(%dma_start3A_239 : memref<10000x128xf32, #tpu.memory_space<vmem_shared>>) offsets(%dma_start3A_236 : memref<80xi32, #tpu.memory_space<vmem>>) semaphore(%arg12 : memref<!tpu.dma_semaphore, #tpu.memory_space<semaphore_mem>>) {add = true}
    %dma_wait3A_240 = arith.constant 2 : i32
    %dma_wait3A_241 = arith.constant 0 : i32
    %dma_wait3A_242 = arith.constant 0 : i32
    %dma_wait3A_243 = tpu.memref_slice %arg7[%dma_wait3A_240, %dma_wait3A_241, %dma_wait3A_242] : memref<3x80x128xf32, #tpu.memory_space<vmem>> -> memref<1x80x128xf32, #tpu.memory_space<vmem>>
    %dma_wait3A_244 = tpu.memref_squeeze %dma_wait3A_243 : memref<1x80x128xf32, #tpu.memory_space<vmem>> -> memref<80x128xf32, #tpu.memory_space<vmem>>
    %dma_wait3A_245 = arith.constant 0 : i32
    %dma_wait3A_246 = tpu.memref_slice %arg2[%mul3A_2, %dma_wait3A_245] : memref<320000x128xf32, #tpu.memory_space<hbm>> -> memref<80x128xf32, #tpu.memory_space<hbm>>
    %dma_wait3A_247 = arith.constant 0 : i32
    %dma_wait3A_248 = arith.constant 0 : i32
    %dma_wait3A_249 = tpu.memref_slice %arg7[%dma_wait3A_240, %dma_wait3A_247, %dma_wait3A_248] : memref<3x80x128xf32, #tpu.memory_space<vmem>> -> memref<1x80x128xf32, #tpu.memory_space<vmem>>
    %dma_wait3A_250 = tpu.memref_squeeze %dma_wait3A_249 : memref<1x80x128xf32, #tpu.memory_space<vmem>> -> memref<80x128xf32, #tpu.memory_space<vmem>>
    %dma_wait3A_251 = arith.constant 0 : i32
    %dma_wait3A_252 = tpu.memref_slice %arg2[%mul3A_2, %dma_wait3A_251] : memref<320000x128xf32, #tpu.memory_space<hbm>> -> memref<80x128xf32, #tpu.memory_space<hbm>>
    tpu.wait_dma2 semaphore(%arg14 : memref<!tpu.dma_semaphore, #tpu.memory_space<semaphore_mem>>) src(%dma_wait3A_252 : memref<80x128xf32, #tpu.memory_space<hbm>>) dst(%dma_wait3A_250 : memref<80x128xf32, #tpu.memory_space<vmem>>)
    %dma_wait3A_253 = arith.constant 1 : i32
    %dma_wait3A_254 = arith.constant 0 : i32
    %dma_wait3A_255 = arith.constant 0 : i32
    %dma_wait3A_256 = tpu.memref_slice %arg7[%dma_wait3A_253, %dma_wait3A_254, %dma_wait3A_255] : memref<3x80x128xf32, #tpu.memory_space<vmem>> -> memref<1x80x128xf32, #tpu.memory_space<vmem>>
    %dma_wait3A_257 = tpu.memref_squeeze %dma_wait3A_256 : memref<1x80x128xf32, #tpu.memory_space<vmem>> -> memref<80x128xf32, #tpu.memory_space<vmem>>
    %dma_wait3A_258 = arith.constant 0 : i32
    %dma_wait3A_259 = tpu.memref_slice %arg2[%mul3A_2, %dma_wait3A_258] : memref<320000x128xf32, #tpu.memory_space<hbm>> -> memref<80x128xf32, #tpu.memory_space<hbm>>
    %dma_wait3A_260 = arith.constant 0 : i32
    %dma_wait3A_261 = arith.constant 0 : i32
    %dma_wait3A_262 = tpu.memref_slice %arg7[%dma_wait3A_253, %dma_wait3A_260, %dma_wait3A_261] : memref<3x80x128xf32, #tpu.memory_space<vmem>> -> memref<1x80x128xf32, #tpu.memory_space<vmem>>
    %dma_wait3A_263 = tpu.memref_squeeze %dma_wait3A_262 : memref<1x80x128xf32, #tpu.memory_space<vmem>> -> memref<80x128xf32, #tpu.memory_space<vmem>>
    %dma_wait3A_264 = arith.constant 0 : i32
    %dma_wait3A_265 = tpu.memref_slice %arg2[%mul3A_2, %dma_wait3A_264] : memref<320000x128xf32, #tpu.memory_space<hbm>> -> memref<80x128xf32, #tpu.memory_space<hbm>>
    tpu.wait_dma2 semaphore(%arg10 : memref<!tpu.dma_semaphore, #tpu.memory_space<semaphore_mem>>) src(%dma_wait3A_265 : memref<80x128xf32, #tpu.memory_space<hbm>>) dst(%dma_wait3A_263 : memref<80x128xf32, #tpu.memory_space<vmem>>)
    %dma_start3A_266 = arith.constant 1 : i32
    %dma_start3A_267 = arith.constant 124 : i32
    %dma_start3A_268 = arith.constant 0 : i32
    %dma_start3A_269 = arith.constant 0 : i32
    %dma_start3A_270 = tpu.memref_slice %arg7[%dma_start3A_266, %dma_start3A_268, %dma_start3A_269] : memref<3x80x128xf32, #tpu.memory_space<vmem>> -> memref<1x80x128xf32, #tpu.memory_space<vmem>>
    %dma_start3A_271 = tpu.memref_squeeze %dma_start3A_270 : memref<1x80x128xf32, #tpu.memory_space<vmem>> -> memref<80x128xf32, #tpu.memory_space<vmem>>
    %dma_start3A_272 = arith.constant 0 : i32
    %dma_start3A_273 = tpu.memref_slice %arg6[%dma_start3A_267, %dma_start3A_272] : memref<125x80xi32, #tpu.memory_space<vmem>> -> memref<1x80xi32, #tpu.memory_space<vmem>>
    %dma_start3A_274 = tpu.memref_squeeze %dma_start3A_273 : memref<1x80xi32, #tpu.memory_space<vmem>> -> memref<80xi32, #tpu.memory_space<vmem>>
    %dma_start3A_275 = arith.constant 0 : i32
    %dma_start3A_276 = arith.constant 0 : i32
    %dma_start3A_277 = tpu.memref_slice %arg5[%dma_start3A_275, %dma_start3A_276] : memref<10000x128xf32, #tpu.memory_space<vmem_shared>> -> memref<10000x128xf32, #tpu.memory_space<vmem_shared>>
    tpu.enqueue_indirect_dma source(%dma_start3A_271 : memref<80x128xf32, #tpu.memory_space<vmem>>) target(%dma_start3A_277 : memref<10000x128xf32, #tpu.memory_space<vmem_shared>>) offsets(%dma_start3A_274 : memref<80xi32, #tpu.memory_space<vmem>>) semaphore(%arg13 : memref<!tpu.dma_semaphore, #tpu.memory_space<semaphore_mem>>) {add = true}
    %dma_wait3A_278 = arith.constant 0 : i32
    %dma_wait3A_279 = arith.constant 0 : i32
    %dma_wait3A_280 = arith.constant 0 : i32
    %dma_wait3A_281 = tpu.memref_slice %arg7[%dma_wait3A_278, %dma_wait3A_279, %dma_wait3A_280] : memref<3x80x128xf32, #tpu.memory_space<vmem>> -> memref<1x80x128xf32, #tpu.memory_space<vmem>>
    %dma_wait3A_282 = tpu.memref_squeeze %dma_wait3A_281 : memref<1x80x128xf32, #tpu.memory_space<vmem>> -> memref<80x128xf32, #tpu.memory_space<vmem>>
    %dma_wait3A_283 = arith.constant 0 : i32
    %dma_wait3A_284 = tpu.memref_slice %arg2[%mul3A_2, %dma_wait3A_283] : memref<320000x128xf32, #tpu.memory_space<hbm>> -> memref<80x128xf32, #tpu.memory_space<hbm>>
    %dma_wait3A_285 = arith.constant 0 : i32
    %dma_wait3A_286 = arith.constant 0 : i32
    %dma_wait3A_287 = tpu.memref_slice %arg7[%dma_wait3A_278, %dma_wait3A_285, %dma_wait3A_286] : memref<3x80x128xf32, #tpu.memory_space<vmem>> -> memref<1x80x128xf32, #tpu.memory_space<vmem>>
    %dma_wait3A_288 = tpu.memref_squeeze %dma_wait3A_287 : memref<1x80x128xf32, #tpu.memory_space<vmem>> -> memref<80x128xf32, #tpu.memory_space<vmem>>
    %dma_wait3A_289 = arith.constant 0 : i32
    %dma_wait3A_290 = tpu.memref_slice %arg2[%mul3A_2, %dma_wait3A_289] : memref<320000x128xf32, #tpu.memory_space<hbm>> -> memref<80x128xf32, #tpu.memory_space<hbm>>
    tpu.wait_dma2 semaphore(%arg12 : memref<!tpu.dma_semaphore, #tpu.memory_space<semaphore_mem>>) src(%dma_wait3A_290 : memref<80x128xf32, #tpu.memory_space<hbm>>) dst(%dma_wait3A_288 : memref<80x128xf32, #tpu.memory_space<vmem>>)
    %dma_wait3A_291 = arith.constant 1 : i32
    %dma_wait3A_292 = arith.constant 0 : i32
    %dma_wait3A_293 = arith.constant 0 : i32
    %dma_wait3A_294 = tpu.memref_slice %arg7[%dma_wait3A_291, %dma_wait3A_292, %dma_wait3A_293] : memref<3x80x128xf32, #tpu.memory_space<vmem>> -> memref<1x80x128xf32, #tpu.memory_space<vmem>>
    %dma_wait3A_295 = tpu.memref_squeeze %dma_wait3A_294 : memref<1x80x128xf32, #tpu.memory_space<vmem>> -> memref<80x128xf32, #tpu.memory_space<vmem>>
    %dma_wait3A_296 = arith.constant 0 : i32
    %dma_wait3A_297 = tpu.memref_slice %arg2[%mul3A_2, %dma_wait3A_296] : memref<320000x128xf32, #tpu.memory_space<hbm>> -> memref<80x128xf32, #tpu.memory_space<hbm>>
    %dma_wait3A_298 = arith.constant 0 : i32
    %dma_wait3A_299 = arith.constant 0 : i32
    %dma_wait3A_300 = tpu.memref_slice %arg7[%dma_wait3A_291, %dma_wait3A_298, %dma_wait3A_299] : memref<3x80x128xf32, #tpu.memory_space<vmem>> -> memref<1x80x128xf32, #tpu.memory_space<vmem>>
    %dma_wait3A_301 = tpu.memref_squeeze %dma_wait3A_300 : memref<1x80x128xf32, #tpu.memory_space<vmem>> -> memref<80x128xf32, #tpu.memory_space<vmem>>
    %dma_wait3A_302 = arith.constant 0 : i32
    %dma_wait3A_303 = tpu.memref_slice %arg2[%mul3A_2, %dma_wait3A_302] : memref<320000x128xf32, #tpu.memory_space<hbm>> -> memref<80x128xf32, #tpu.memory_space<hbm>>
    tpu.wait_dma2 semaphore(%arg13 : memref<!tpu.dma_semaphore, #tpu.memory_space<semaphore_mem>>) src(%dma_wait3A_303 : memref<80x128xf32, #tpu.memory_space<hbm>>) dst(%dma_wait3A_301 : memref<80x128xf32, #tpu.memory_space<vmem>>)
    %barrier3A_304 = arith.constant 0 : index
    tpu.barrier barrier_id(%barrier3A_304)
    %lt3A_305 = arith.constant 15 : i32
    %lt3A_306 = arith.cmpi slt, %arg1, %lt3A_305 : i32
    %convert_element_type3A_307 = arith.extui %lt3A_306 : i1 to i32
    %cond3A_308 = arith.constant 0 : i32
    %cond3A_309 = arith.cmpi ne, %convert_element_type3A_307, %cond3A_308 : i32
    scf.if %cond3A_309 {
      %mul3A_315 = arith.constant 640 : i32
      %mul3A_316 = arith.muli %arg1, %mul3A_315 : i32
      %mul3A_317 = arith.constant 640 : i32
      %mul3A_318 = arith.muli %arg1, %mul3A_317 : i32
      "tpu.region"() ({
        %run_scoped3A = tpu.sem_alloc : memref<!tpu.dma_semaphore, #tpu.memory_space<semaphore_mem>>
        %dma_start3A_319 = arith.constant 0 : i32
        %dma_start3A_320 = tpu.memref_slice %arg4[%arg0, %mul3A_318, %dma_start3A_319] : memref<2x10000x128xf32, #tpu.memory_space<hbm>> -> memref<1x640x128xf32, #tpu.memory_space<hbm>>
        %dma_start3A_321 = tpu.memref_squeeze %dma_start3A_320 : memref<1x640x128xf32, #tpu.memory_space<hbm>> -> memref<640x128xf32, #tpu.memory_space<hbm>>
        %dma_start3A_322 = arith.constant 0 : i32
        %dma_start3A_323 = tpu.memref_slice %arg5[%mul3A_316, %dma_start3A_322] : memref<10000x128xf32, #tpu.memory_space<vmem_shared>> -> memref<640x128xf32, #tpu.memory_space<vmem_shared>>
        tpu.enqueue_dma source(%dma_start3A_323 : memref<640x128xf32, #tpu.memory_space<vmem_shared>>) target(%dma_start3A_321 : memref<640x128xf32, #tpu.memory_space<hbm>>) target_semaphore(%run_scoped3A : memref<!tpu.dma_semaphore, #tpu.memory_space<semaphore_mem>>)
        %dma_wait3A_324 = arith.constant 0 : i32
        %dma_wait3A_325 = tpu.memref_slice %arg4[%arg0, %mul3A_318, %dma_wait3A_324] : memref<2x10000x128xf32, #tpu.memory_space<hbm>> -> memref<1x640x128xf32, #tpu.memory_space<hbm>>
        %dma_wait3A_326 = tpu.memref_squeeze %dma_wait3A_325 : memref<1x640x128xf32, #tpu.memory_space<hbm>> -> memref<640x128xf32, #tpu.memory_space<hbm>>
        %dma_wait3A_327 = arith.constant 0 : i32
        %dma_wait3A_328 = tpu.memref_slice %arg5[%mul3A_316, %dma_wait3A_327] : memref<10000x128xf32, #tpu.memory_space<vmem_shared>> -> memref<640x128xf32, #tpu.memory_space<vmem_shared>>
        tpu.wait_dma2 semaphore(%run_scoped3A : memref<!tpu.dma_semaphore, #tpu.memory_space<semaphore_mem>>) src(%dma_wait3A_328 : memref<640x128xf32, #tpu.memory_space<vmem_shared>>) dst(%dma_wait3A_326 : memref<640x128xf32, #tpu.memory_space<hbm>>)
        tpu.yield
      }) : () -> ()
    } else {
    }
    %eq3A_310 = arith.constant 15 : i32
    %eq3A_311 = arith.cmpi eq, %arg1, %eq3A_310 : i32
    %convert_element_type3A_312 = arith.extui %eq3A_311 : i1 to i32
    %cond3A_313 = arith.constant 0 : i32
    %cond3A_314 = arith.cmpi ne, %convert_element_type3A_312, %cond3A_313 : i32
    scf.if %cond3A_314 {
      "tpu.region"() ({
        %run_scoped3A = tpu.sem_alloc : memref<!tpu.dma_semaphore, #tpu.memory_space<semaphore_mem>>
        %dma_start3A_315 = arith.constant 9600 : i32
        %dma_start3A_316 = arith.constant 0 : i32
        %dma_start3A_317 = tpu.memref_slice %arg4[%arg0, %dma_start3A_315, %dma_start3A_316] : memref<2x10000x128xf32, #tpu.memory_space<hbm>> -> memref<1x400x128xf32, #tpu.memory_space<hbm>>
        %dma_start3A_318 = tpu.memref_squeeze %dma_start3A_317 : memref<1x400x128xf32, #tpu.memory_space<hbm>> -> memref<400x128xf32, #tpu.memory_space<hbm>>
        %dma_start3A_319 = arith.constant 9600 : i32
        %dma_start3A_320 = arith.constant 0 : i32
        %dma_start3A_321 = tpu.memref_slice %arg5[%dma_start3A_319, %dma_start3A_320] : memref<10000x128xf32, #tpu.memory_space<vmem_shared>> -> memref<400x128xf32, #tpu.memory_space<vmem_shared>>
        tpu.enqueue_dma source(%dma_start3A_321 : memref<400x128xf32, #tpu.memory_space<vmem_shared>>) target(%dma_start3A_318 : memref<400x128xf32, #tpu.memory_space<hbm>>) target_semaphore(%run_scoped3A : memref<!tpu.dma_semaphore, #tpu.memory_space<semaphore_mem>>)
        %dma_wait3A_322 = arith.constant 9600 : i32
        %dma_wait3A_323 = arith.constant 0 : i32
        %dma_wait3A_324 = tpu.memref_slice %arg4[%arg0, %dma_wait3A_322, %dma_wait3A_323] : memref<2x10000x128xf32, #tpu.memory_space<hbm>> -> memref<1x400x128xf32, #tpu.memory_space<hbm>>
        %dma_wait3A_325 = tpu.memref_squeeze %dma_wait3A_324 : memref<1x400x128xf32, #tpu.memory_space<hbm>> -> memref<400x128xf32, #tpu.memory_space<hbm>>
        %dma_wait3A_326 = arith.constant 9600 : i32
        %dma_wait3A_327 = arith.constant 0 : i32
        %dma_wait3A_328 = tpu.memref_slice %arg5[%dma_wait3A_326, %dma_wait3A_327] : memref<10000x128xf32, #tpu.memory_space<vmem_shared>> -> memref<400x128xf32, #tpu.memory_space<vmem_shared>>
        tpu.wait_dma2 semaphore(%run_scoped3A : memref<!tpu.dma_semaphore, #tpu.memory_space<semaphore_mem>>) src(%dma_wait3A_328 : memref<400x128xf32, #tpu.memory_space<vmem_shared>>) dst(%dma_wait3A_325 : memref<400x128xf32, #tpu.memory_space<hbm>>)
        tpu.yield
      }) : () -> ()
    } else {
    }
    return
  }
}

module attributes {stable_mosaic.version = 14 : i64} {
  func.func @_mlp_body(%arg0: i32, %arg1: memref<5000x128xf32, #tpu.memory_space<vmem>>, %arg2: memref<5000x128xf32, #tpu.memory_space<vmem>>, %arg3: memref<5000x128xf32, #tpu.memory_space<vmem>>, %arg4: memref<128x128xf32, #tpu.memory_space<vmem>>, %arg5: memref<1x128xf32, #tpu.memory_space<vmem>>, %arg6: memref<128x128xf32, #tpu.memory_space<vmem>>, %arg7: memref<1x128xf32, #tpu.memory_space<vmem>>, %arg8: memref<5000x128xf32, #tpu.memory_space<vmem>>) attributes {dimension_semantics = [#tpu.dimension_semantics<arbitrary>], iteration_bounds = array<i64: 2>, scalar_prefetch = 0 : i64, scratch_operands = 0 : i64, tpu.core_type = #tpu.core_type<tc>, window_params = [{transform_indices = @transform_0, window_bounds = array<i64: 5000, 128>}, {transform_indices = @transform_1, window_bounds = array<i64: 5000, 128>}, {transform_indices = @transform_2, window_bounds = array<i64: 5000, 128>}, {pipeline_mode = #tpu.pipeline_mode<synchronous>, transform_indices = @transform_3, window_bounds = array<i64: 128, 128>}, {pipeline_mode = #tpu.pipeline_mode<synchronous>, transform_indices = @transform_4, window_bounds = array<i64: 1, 128>}, {pipeline_mode = #tpu.pipeline_mode<synchronous>, transform_indices = @transform_5, window_bounds = array<i64: 128, 128>}, {pipeline_mode = #tpu.pipeline_mode<synchronous>, transform_indices = @transform_6, window_bounds = array<i64: 1, 128>}, {transform_indices = @transform_7, window_bounds = array<i64: 5000, 128>}]} {
    %get3A = arith.constant 0 : index
    %get3A_0 = arith.constant 0 : index
    %get3A_1 = vector.load %arg1[%get3A, %get3A_0] : memref<5000x128xf32, #tpu.memory_space<vmem>>, vector<5000x128xf32>
    %get3A_2 = arith.constant 0 : index
    %get3A_3 = arith.constant 0 : index
    %get3A_4 = vector.load %arg2[%get3A_2, %get3A_3] : memref<5000x128xf32, #tpu.memory_space<vmem>>, vector<5000x128xf32>
    %add3A = arith.addf %get3A_1, %get3A_4 : vector<5000x128xf32>
    %get3A_5 = arith.constant 0 : index
    %get3A_6 = arith.constant 0 : index
    %get3A_7 = vector.load %arg4[%get3A_5, %get3A_6] : memref<128x128xf32, #tpu.memory_space<vmem>>, vector<128x128xf32>
    %dot_general3A = arith.constant dense<0.000000e+00> : vector<5000x128xf32>
    %dot_general3A_8 = tpu.matmul %add3A, %get3A_7, %dot_general3A {dimension_numbers = #tpu.dot_dimension_numbers<[1], [1], [0], [0], [0, 0, 1, 0], [], []>, transpose_lhs_hint = false} : vector<5000x128xf32>, vector<128x128xf32>, vector<5000x128xf32> -> vector<5000x128xf32>
    %get3A_9 = arith.constant 0 : index
    %get3A_10 = arith.constant 0 : index
    %get3A_11 = vector.load %arg5[%get3A_9, %get3A_10] : memref<1x128xf32, #tpu.memory_space<vmem>>, vector<1x128xf32>
    %add3A_12 = vector.broadcast %get3A_11 : vector<1x128xf32> to vector<5000x128xf32>
    %add3A_13 = arith.addf %dot_general3A_8, %add3A_12 : vector<5000x128xf32>
    %max3A = arith.constant 0.000000e+00 : f32
    %max3A_14 = vector.broadcast %max3A : f32 to vector<5000x128xf32>
    %max3A_15 = arith.maximumf %add3A_13, %max3A_14 : vector<5000x128xf32>
    %abs3A = math.absf %add3A_13 : vector<5000x128xf32>
    %neg3A = arith.constant 0.000000e+00 : f32
    %neg3A_16 = vector.broadcast %neg3A : f32 to vector<5000x128xf32>
    %neg3A_17 = arith.subf %neg3A_16, %abs3A : vector<5000x128xf32>
    %exp3A = math.exp %neg3A_17 : vector<5000x128xf32>
    %log1p3A = math.log1p %exp3A : vector<5000x128xf32>
    %add3A_18 = arith.addf %max3A_15, %log1p3A : vector<5000x128xf32>
    %log3A = arith.constant 2.000000e+00 : f32
    %log3A_19 = math.log %log3A : f32
    %sub3A = vector.broadcast %log3A_19 : f32 to vector<5000x128xf32>
    %sub3A_20 = arith.subf %add3A_18, %sub3A : vector<5000x128xf32>
    %get3A_21 = arith.constant 0 : index
    %get3A_22 = arith.constant 0 : index
    %get3A_23 = vector.load %arg3[%get3A_21, %get3A_22] : memref<5000x128xf32, #tpu.memory_space<vmem>>, vector<5000x128xf32>
    %get3A_24 = arith.constant 0 : index
    %get3A_25 = arith.constant 0 : index
    %get3A_26 = vector.load %arg7[%get3A_24, %get3A_25] : memref<1x128xf32, #tpu.memory_space<vmem>>, vector<1x128xf32>
    %add3A_27 = vector.broadcast %get3A_26 : vector<1x128xf32> to vector<5000x128xf32>
    %add3A_28 = arith.addf %get3A_23, %add3A_27 : vector<5000x128xf32>
    %get3A_29 = arith.constant 0 : index
    %get3A_30 = arith.constant 0 : index
    %get3A_31 = vector.load %arg6[%get3A_29, %get3A_30] : memref<128x128xf32, #tpu.memory_space<vmem>>, vector<128x128xf32>
    %dot_general3A_32 = arith.constant dense<0.000000e+00> : vector<5000x128xf32>
    %dot_general3A_33 = tpu.matmul %sub3A_20, %get3A_31, %dot_general3A_32 {dimension_numbers = #tpu.dot_dimension_numbers<[1], [1], [0], [0], [0, 0, 1, 0], [], []>, transpose_lhs_hint = false} : vector<5000x128xf32>, vector<128x128xf32>, vector<5000x128xf32> -> vector<5000x128xf32>
    %add3A_34 = arith.addf %add3A_28, %dot_general3A_33 : vector<5000x128xf32>
    %swap3A = arith.constant 0 : index
    %swap3A_35 = arith.constant 0 : index
    %swap3A_36 = vector.load %arg8[%swap3A, %swap3A_35] : memref<5000x128xf32, #tpu.memory_space<vmem>>, vector<5000x128xf32>
    tpu.vector_store %arg8[%swap3A, %swap3A_35], %add3A_34 {strides = array<i32>} : memref<5000x128xf32, #tpu.memory_space<vmem>>, vector<5000x128xf32>,
    return
  }
  func.func @transform_0(%arg0: i32) -> (i32, i32) {
    %c0_i32 = arith.constant 0 : i32
    %c0_i32_0 = arith.constant 0 : i32
    return %arg0, %c0_i32 : i32, i32
  }
  func.func @transform_1(%arg0: i32) -> (i32, i32) {
    %c0_i32 = arith.constant 0 : i32
    %c0_i32_0 = arith.constant 0 : i32
    return %arg0, %c0_i32 : i32, i32
  }
  func.func @transform_2(%arg0: i32) -> (i32, i32) {
    %c0_i32 = arith.constant 0 : i32
    %c0_i32_0 = arith.constant 0 : i32
    return %arg0, %c0_i32 : i32, i32
  }
  func.func @transform_3(%arg0: i32) -> (i32, i32) {
    %c0_i32 = arith.constant 0 : i32
    %c0_i32_0 = arith.constant 0 : i32
    %c0_i32_1 = arith.constant 0 : i32
    return %c0_i32, %c0_i32_0 : i32, i32
  }
  func.func @transform_4(%arg0: i32) -> (i32, i32) {
    %c0_i32 = arith.constant 0 : i32
    %c0_i32_0 = arith.constant 0 : i32
    %c0_i32_1 = arith.constant 0 : i32
    return %c0_i32, %c0_i32_0 : i32, i32
  }
  func.func @transform_5(%arg0: i32) -> (i32, i32) {
    %c0_i32 = arith.constant 0 : i32
    %c0_i32_0 = arith.constant 0 : i32
    %c0_i32_1 = arith.constant 0 : i32
    return %c0_i32, %c0_i32_0 : i32, i32
  }
  func.func @transform_6(%arg0: i32) -> (i32, i32) {
    %c0_i32 = arith.constant 0 : i32
    %c0_i32_0 = arith.constant 0 : i32
    %c0_i32_1 = arith.constant 0 : i32
    return %c0_i32, %c0_i32_0 : i32, i32
  }
  func.func @transform_7(%arg0: i32) -> (i32, i32) {
    %c0_i32 = arith.constant 0 : i32
    %c0_i32_0 = arith.constant 0 : i32
    return %arg0, %c0_i32 : i32, i32
  }
}

</mosaic_0001>

<sc_bundles>
// kernel: kernel.4.cloned.1.call-start
scs
__scs_entry_jumppad:
0x0: {  	(pc) =	sbr.rel $0x88, $3  }
0x1: {  	(tag) =	ssettag $0x0;
	lr =	simm.s32 $0x1  }
0x2: {  	[smem:$0x3F9A] =	sst lr;
	_ =	strace $0xD0000000  }
0x3: {  	_ = 	snop  }
0x4: {  	_ = 	snop  }
0x5: {  	_ = 	snop  }
0x6: {  	_ = 	snop  }
0x7: {  	_ = 	snop  }
__scs_overlays_trampoline_lowered:
0x8: {  	[smem:$0x3FA9] =	sst s0  }
0x9: {  	[smem:$0x3FAA] =	sst s1  }
0xa: {  	[smem:$0x3FAB] =	sst s2  }
0xb: {  	[smem:$0x3FAC] =	sst s3  }
0xc: {  	[smem:$0x3FAD] =	sst s4  }
0xd: {  	[smem:$0x3FAE] =	sst s5  }
0xe: {  	[smem:$0x3FAF] =	sst s6  }
0xf: {  	[smem:$0x3FB0] =	sst s7  }
0x10: {  	[smem:$0x3FB1] =	sst s8  }
0x11: {  	[smem:$0x3FB2] =	sst s9;
	s0 =	simm.s32 @!p0 $0x0  }
0x12: {  	s1 =	sld [smem:$0x3F98];
	s0 =	simm.s32 @p0 $0x1  }
0x13: {  	[smem:$0x3FB3] =	sst s0;
	s0 =	simm.s32 @!p1 $0x0  }
0x14: {  	s2 =	sld [smem:$0x3F97];
	s0 =	simm.s32 @p1 $0x1  }
0x15: {  	[smem:$0x3FB4] =	sst s0;
	s0 =	simm.s32 @!p2 $0x0  }
0x16: {  	s3 =	sld [smem:$0x3FDB];
	s0 =	simm.s32 @p2 $0x1  }
0x17: {  	s4 =	simm.s32 $0x1BF5;
	[smem:$0x3FB6] =	sst s0  }
0x18: {  	s0 =	sld [smem:$0x3F99];
	_ =	swait.ge [sflag:s4], $0x0  }
0x19: {  	s7 =	sld [smem:$0x3F9A]  }
0x1a: {  	s8 =	sadd.s32 $0xFFFFE003, lr  }
0x1b: {  	s9 =	sadd.s32 $0xFFFFFEF7, lr;
	s5 =	simm.s32 $0xFFFFFFFF;
	p2 =	slt.u32 s8, $0xFFFFF086  }
0x1c: {  	p1 =	slt.u32 s9, $0xF7A;
	s5 =	simm.s32 @!p2 $0x0  }
0x1d: {  	s5 =	simm.s32 @p1 $0x1;
	p0 =	seq.s32 s7, s2  }
0x1e: {  	s7 =	smul.u32 @!p0 $0xF7A, s2;
	p2 =	seq.s32 @!p0 s5, $0x0  }
0x1f: {  	s9 =	smul.u32 $0xF7A, s1;
	s8 =	simm.s32 @!p0 $0x1BF5;
	p2 =	por !p2, p0  }
0x20: {  	[sflag:s8] =	ssyncset.s32 @!p0 $0xFFFFF086;
	s6 =	sadd.s32 @!p0 s3, s7;
	s7 =	simm.s32 @!p0 $0x108  }
0x21: {  	s3 =	sadd.s32 s3, s9;
	s6 =	sadd.s32 @!p0 $0x88, s6;
	s7 =	simm.s32 @p2 $0x1082  }
0x22: {  	[simem:s7], [sflag:s8] =	dma.local @!p0 [hbm:s6], $0xF7A  }
0x23: {  	s9 =	sor.u32 $0xD0000000, s2;
	s6 =	simm.s32 $0x108;
	_ =	swait.ge @!p0 [sflag:s8], $0x0  }
0x24: {  	s3 =	sadd.s32 $0x88, s3;
	s6 =	simm.s32 @!p1 $0x1082;
	[sflag:s4] =	ssyncset.s32 $0xFFFFF086  }
0x25: {  	[simem:s6], [sflag:s4] =	dma.local [hbm:s3], $0xF7A  }
0x26: {  	[smem:$0x3F9A] =	sst s1;
	(tag) =	ssettag s2;
	_ =	strace s9  }
0x27: {  	s1 =	sld [smem:$0x3FAA]  }
0x28: {  	s2 =	sld [smem:$0x3FAB]  }
0x29: {  	s4 =	sld [smem:$0x3FAD]  }
0x2a: {  	p0 =	seq.s32 s5, $0x0;
	s5 =	sld [smem:$0x3FAE]  }
0x2b: {  	s6 =	sld [smem:$0x3FAF]  }
0x2c: {  	s7 =	sld [smem:$0x3FB0]  }
0x2d: {  	s3 =	simm.s32 $0x108;
	s8 =	sld [smem:$0x3FB1]  }
0x2e: {  	s3 =	simm.s32 @!p0 $0x1082;
	s9 =	sld [smem:$0x3FB2]  }
0x2f: {  	lr =	sadd.s32 s0, s3;
	s0 =	sld [smem:$0x3FA9]  }
0x30: {  	s3 =	sld [smem:$0x3FAC]  }
0x31: {  	[smem:$0x3FB5] =	sst s10  }
0x32: {  	s10 =	sld [smem:$0x3FB3];
	_ =	sdelay $0x3  }
0x33: {  	p0 =	seq.s32 s10, $0x1;
	s10 =	sld [smem:$0x3FB5];
	_ =	sdelay $0x3  }
0x34: {  	[smem:$0x3FB5] =	sst s10  }
0x35: {  	s10 =	sld [smem:$0x3FB4];
	_ =	sdelay $0x3  }
0x36: {  	p1 =	seq.s32 s10, $0x1;
	s10 =	sld [smem:$0x3FB5];
	_ =	sdelay $0x3  }
0x37: {  	[smem:$0x3FB5] =	sst s10  }
0x38: {  	s10 =	sld [smem:$0x3FB6]  }
0x39: {  	_ = 	snop;
	(pc) =	sbr.ind lr, $3  }
0x3a: {  	_ = 	snop  }
0x3b: {  	_ = 	snop  }
0x3c: {  	p2 =	seq.s32 s10, $0x1;
	s10 =	sld [smem:$0x3FB5]  }
0x3d: {  	_ =	shalt  }
0x3e: {  	_ =	shalt  }
0x3f: {  	_ =	shalt  }
0x40: {  	_ =	shalt  }
0x41: {  	_ =	shalt  }
0x42: {  	_ =	shalt  }
0x43: {  	_ =	shalt  }
0x44: {  	_ =	shalt  }
0x45: {  	_ =	shalt  }
0x46: {  	_ =	shalt  }
0x47: {  	_ =	shalt  }
0x48: {  	_ =	shalt  }
0x49: {  	_ =	shalt  }
0x4a: {  	_ =	shalt  }
0x4b: {  	_ =	shalt  }
0x4c: {  	_ =	shalt  }
0x4d: {  	_ =	shalt  }
0x4e: {  	_ =	shalt  }
0x4f: {  	_ =	shalt  }
0x50: {  	_ =	shalt  }
0x51: {  	_ =	shalt  }
0x52: {  	_ =	shalt  }
0x53: {  	_ =	shalt  }
0x54: {  	_ =	shalt  }
0x55: {  	_ =	shalt  }
0x56: {  	_ =	shalt  }
0x57: {  	_ =	shalt  }
0x58: {  	_ =	shalt  }
0x59: {  	_ =	shalt  }
0x5a: {  	_ =	shalt  }
0x5b: {  	_ =	shalt  }
0x5c: {  	_ =	shalt  }
0x5d: {  	_ =	shalt  }
0x5e: {  	_ =	shalt  }
0x5f: {  	_ =	shalt  }
0x60: {  	_ =	shalt  }
0x61: {  	_ =	shalt  }
0x62: {  	_ =	shalt  }
0x63: {  	_ =	shalt  }
0x64: {  	_ =	shalt  }
0x65: {  	_ =	shalt  }
0x66: {  	_ =	shalt  }
0x67: {  	_ =	shalt  }
0x68: {  	_ =	shalt  }
0x69: {  	_ =	shalt  }
0x6a: {  	_ =	shalt  }
0x6b: {  	_ =	shalt  }
0x6c: {  	_ =	shalt  }
0x6d: {  	_ =	shalt  }
0x6e: {  	_ =	shalt  }
0x6f: {  	_ =	shalt  }
0x70: {  	_ =	shalt  }
0x71: {  	_ =	shalt  }
0x72: {  	_ =	shalt  }
0x73: {  	_ =	shalt  }
0x74: {  	_ =	shalt  }
0x75: {  	_ =	shalt  }
0x76: {  	_ =	shalt  }
0x77: {  	_ =	shalt  }
0x78: {  	_ =	shalt  }
0x79: {  	_ =	shalt  }
0x7a: {  	_ =	shalt  }
0x7b: {  	_ =	shalt  }
0x7c: {  	_ =	shalt  }
0x7d: {  	_ =	shalt  }
0x7e: {  	_ =	shalt  }
0x7f: {  	_ =	shalt  }
0x80: {  	_ =	shalt  }
0x81: {  	_ =	shalt  }
0x82: {  	_ =	shalt  }
0x83: {  	_ =	shalt  }
0x84: {  	_ =	shalt  }
0x85: {  	_ =	shalt  }
0x86: {  	_ =	shalt  }
0x87: {  	_ =	shalt  }
.Lfunc_end0:
.L_simem_size_0:
called_computation_lowered:
.L_overlay_start_0:
0x88: {  	s2 =	sld [smem:$0x3FD9]  }
0x89: {  	s3 =	sld [smem:$0x3FFE];
	_ =	sdelay $0x1  }
0x8a: {  	s1 =	srdreg.scid  }
0x8b: {  	s0 =	sand.u32 $0x1, s1  }
0x8c: {  	s17 =	sshll.u32 s0, $0xA;
	s2 =	sadd.s32 s3, s2  }
0x8d: {  	s2 =	sadd.s32 s2, s17  }
0x8e: {  	[smem:$0x3FC1] =	sst s2  }
0x8f: {  	_ = 	snop  }
0x90: {  	s2 =	sld [smem:$0x3FC8]  }
0x91: {  	s18 =	sld [smem:$0x3FD0];
	(tm) =	ssettm $0x1  }
0x92: {  	s4 =	sld [smem:$0x3FFB];
	_ =	sdelay $0x3  }
0x93: {  	_ =	strace s4  }
0x94: {  	s4 =	sld [smem:$0x3FFC];
	_ =	sdelay $0x3  }
0x95: {  	_ =	strace s4  }
0x96: {  	s4 =	sld [smem:$0x3FFD];
	_ =	sdelay $0x3  }
0x97: {  	_ =	strace s4  }
0x98: {  	_ =	strace $0x8FFFFFFF  }
0x99: {  	s19 =	sld [smem:$0x3FDB];
	_ =	sdelay $0x1  }
0x9a: {  	s5 =	simm.s32 $_scs_section_size  }
0x9b: {  	s6 =	simm.s32 $_size__tile_overlayer_lowered;
	s7 =	simm.s32 $_tile_overlayer_lowered  }
0x9c: {  	s22 =	simm.s32 $0x1BFF;
	s21 =	sshll.u32 s7, $0x1;
	s4 =	sadd.s32 s5, s19  }
0x9d: {  	s8 =	simm.s32 $0x0;
	s20 =	sshll.u32 s6, $0x1;
	s6 =	sadd.s32 s21, s4  }
0x9e: {  	[timem:s8], [sflag:s22] =	dma.local [hbm:s6], s20  }
0x9f: {  	_ =	swait.ge [sflag:s22], s20  }
0xa0: {  	s5 =	ssub.s32 $0x0, s20;
	[sflag:s22] =	ssyncset.done $0x0  }
0xa1: {  	[sflag:s22] =	ssyncadd.s32 s5;
	_ =	sdelay $0x1  }
0xa2: {  	s23 =	simm.s32 $0x1B8B  }
0xa3: {  	_ =	swait.ge [sflag:s23], $0x1  }
0xa4: {  	[sflag:s23] =	ssyncset.done $0x0  }
0xa5: {  	s25 =	simm.s32 $0x1B8E;
	s24 =	sld [smem:$0x3FFE];
	[sflag:s23] =	ssyncadd.s32 $0xFFFFFFFF  }
0xa6: {  	s26 =	simm.s32 $execute0_lowered;
	[smem:$0x3FD2] =	sst s25  }
0xa7: {  	s6 =	sshll.u32 s26, $0x1;
	_ =	strace $0x80000046;
	[dreg:$0x1] =	wrdreg $0xFFFFFFFF  }
0xa8: {  	s28 =	simm.s32 $_size_execute0_lowered;
	s4 =	sadd.s32 s4, s6;
	[dreg:$0x0] =	wrdreg $0x0  }
0xa9: {  	s6 =	sshll.u32 s28, $0x1;
	[dreg:$0x2] =	wrdreg s4  }
0xaa: {  	[dreg:$0x3] =	wrdreg s6  }
0xab: {  	[dreg:$0x4] =	wrdreg $0xC0  }
0xac: {  	_ =	task [dreg:s8], $0x5FFFF  }
0xad: {  	[dreg:$0x1] =	wrdreg $0xFFFFFFFF  }
0xae: {  	[dreg:$0x0] =	wrdreg $0x60  }
0xaf: {  	[dreg:$0x2] =	wrdreg s2  }
0xb0: {  	[dreg:$0x3] =	wrdreg s18  }
0xb1: {  	[dreg:$0x4] =	wrdreg s24  }
0xb2: {  	[dreg:$0x5] =	wrdreg $0x0  }
0xb3: {  	[dreg:$0x6] =	wrdreg $0x9  }
0xb4: {  	_ =	task.clear_ibuf [dreg:s8], $0x7FFFF;
	_ =	strace $0x90000046  }
0xb5: {  	s29 =	simm.s32 $0x9;
	_ =	strace $0x80000048  }
0xb6: {  	_ =	swait.ge [sflag:s29], $0x1  }
0xb7: {  	[sflag:s29] =	ssyncadd.s32 $0xFFFFFFFF  }
0xb8: {  	_ =	strace $0x90000048  }
0xb9: {  	_ =	sfence  }
0xba: {  	s30 =	sld [smem:$0x0];
	_ =	sdelay $0x2  }
0xbb: {  	s31 =	sshll.u32 s1, $0xD;
	s1 =	sshrl.u32 s1, $0x2  }
0xbc: {  	s3 =	sand.u32 $0x4000, s31;
	s1 =	sadd.s32 s1, s30  }
0xbd: {  	s0 =	sor.u32 s3, s0;
	s1 =	sshll.u32 s1, $0x11  }
0xbe: {  	s0 =	sor.u32 s1, s0  }
0xbf: {  	s0 =	sadd.s32 $0x8F2B, s0  }
0xc0: {  	[sflag:s0] =	ssyncadd.remote.s32 $0x1  }
0xc1: {  	_ =	sfence.sel $0xFFFF  }
0xc2: {  	[dreg:$0x0] =	wrdreg $0xFFFFFFFF;
	(pc) =	sbr.abs _section_cstart, $3  }
0xc3: {  	[dreg:$0x1] =	wrdreg $0xFFFFFFFF  }
0xc4: {  	_ =	task.clear_ibuf [dreg:s8], $0x2FFFF;
	_ =	strace $0x9FFFFFFF  }
0xc5: {  	(tm) =	ssettm $0x7FFFFFFF  }
tec
execute0_lowered:
.L_overlay_start_1:
0x0: {  	(tag) =	ssettag $0x1  }
0x1: {  	s0 =	rddreg [dreg:$0x0]  }
0x2: {  	s2 =	rddreg [dreg:$0x1]  }
0x3: {  	s4 =	rddreg [dreg:$0x2]  }
0x4: {  	s1 =	rddreg [dreg:$0x3];
	s5 =	srdreg.scid;
	s3 =	simm.s32 $0x0  }
0x5: {  	s19 =	stileid.u32;
	s17 =	simm.s32 $0x17880;
	s18 =	simm.s32 $0x1A080  }
0x6: {  	s20 =	simm.s32 $0x7;
	s21 =	simm.s32 $0x4;
	s28 =	simm.s32 $0x3  }
0x7: {  	s30 =	simm.s32 $0x5;
	s31 =	simm.s32 $0x6;
	s23 =	smul.u32 $0x50000, s19  }
0x8: {  	s11 =	sand.u32 $0x1, s5;
	[smem:$0x7FF] =	sst s3;
	s15 =	smul.u32 $0x14000, s19  }
0x9: {  	s12 =	sadd.s32 $0xC00, s4;
	s16 =	smul.u32 $0x27100, s19;
	p0 =	seq.s32 s19, $0xF  }
0xa: {  	s5 =	sshll.u32 s11, $0x4;
	_ =	strace $0x80000047;
	s13 =	smul.u32 $0x138800, s11  }
0xb: {  	s22 =	ssub.s32 $0x2, s11;
	s26 =	smul.u32 $0x271000, s11;
	s5 =	sor.u32 s19, s5  }
0xc: {  	s7 =	sshrl.u32 s22, $0x1;
	s19 =	simm.s32 $0x1F080;
	s6 =	smul.u32 $0x27100, s5  }
0xd: {  	s8 =	sshll.u32 s5, $0xB;
	s9 =	smul.u32 $0x138800, s5;
	s14 =	ssub.s32 s22, s7  }
0xe: {  	s25 =	sadd.s32 s15, s13;
	s13 =	sshrl.u32 s13, $0x3;
	s22 =	simm.s32 $0x1  }
0xf: {  	s2 =	sadd.s32 s2, s8;
	s29 =	sadd.s32 s12, s13;
	s13 =	sadd.s32 $0x12C000, s1  }
0x10: {  	s14 =	smax.u32 s14, $0x1;
	[dreg:$0x5] =	wrdreg s2;
	s5 =	sadd.s32 s0, s6  }
0x11: {  	s24 =	sshrl.u32 s9, $0x3;
	s2 =	sshrl.u32 s23, $0x2;
	s23 =	simm.s32 $0x50  }
0x12: {  	s10 =	sadd.s32 s0, s24;
	s7 =	sadd.s32 s2, s1;
	s2 =	sshrl.u32 s25, $0x3  }
0x13: {  	s0 =	sadd.s32 s26, s0;
	s24 =	simm.s32 $0x1C880;
	s25 =	simm.s32 $0x2  }
0x14: {  	s6 =	sadd.s32 $0x500, s10;
	s8 =	sadd.s32 $0xA00, s10;
	s9 =	sadd.s32 $0xF00, s10  }
0x15: {  	s10 =	sadd.s32 $0x1400, s10;
	s11 =	sadd.s32 s12, s2;
	s12 =	sadd.s32 $0x25800, s29  }
0x16: {  	v0 =	vimm.f32 $0.0e+00;
	s15 =	sadd.s32 s16, s0;
	s16 =	simm.s32 $0x13880;
	s2 =	simm.s32 $0x0  }
.LBB2_1:
0x17: {  	s0 =	rddreg [dreg:$0x5]  }
0x18: {  	[tilespmem:s16], [sflag:$0x4] =	stream.linear.gather [hbm4b:s0+s3], $0x3E80, $0x38;
	[tilespmem:$0x1F880] =	vst v63  }
0x19: {  	_ = 	snop  }
0x1a: {  	[tilespmem:s17], [sflag:$0x1] =	stream.linear.gather [hbm4b:s5+s3], $0x2800, $0x38;
	[tilespmem:$0x1F880] =	vst v63  }
0x1b: {  	s29 =	simm.s32 $0x200;
	s0 =	simm.s32 $0x0  }
0x1c: {  	[tilespmem:s18], [sflag:$0x2] =	stream.linear.gather [hbm4b:s6+s3], $0x2800, $0x38;
	[tilespmem:$0x1F880] =	vst v63  }
.LBB2_2:
0x1d: {  	p1 =	sne.s32 s29, $0x1E00;
	[tilespmem:s0+$0x1F0F0] =	vst v0  }
0x1e: {  	[tilespmem:s0+$0x1F080] =	vst v0  }
0x1f: {  	[tilespmem:s0+$0x1F090] =	vst v0  }
.Ltmp0:
0x20: {  	[tilespmem:s0+$0x1F0A0] =	vst v0;
	(pc) =	sbr.rel @p1 .LBB2_2-.Ltmp0, $4  }
0x21: {  	[tilespmem:s0+$0x1F0B0] =	vst v0  }
0x22: {  	[tilespmem:s0+$0x1F0C0] =	vst v0  }
0x23: {  	[tilespmem:s0+$0x1F0D0] =	vst v0  }
0x24: {  	[tilespmem:s0+$0x1F0E0] =	vst v0;
	s0 =	sshra.s32 s29, $0x2;
	s29 =	sadd.s32 $0x200, s29  }
0x25: {  	[tilespmem:s0+$0x1F0F0] =	vst v0  }
0x26: {  	[tilespmem:s0+$0x1F080] =	vst v0  }
0x27: {  	[tilespmem:s0+$0x1F090] =	vst v0  }
0x28: {  	[tilespmem:s0+$0x1F0A0] =	vst v0  }
.Ltmp1:
0x29: {  	[tilespmem:s0+$0x1F0B0] =	vst v0;
	(pc) =	sbr.rel @!p0 .LBB2_4-.Ltmp1, $4  }
0x2a: {  	[tilespmem:s0+$0x1F0C0] =	vst v0  }
0x2b: {  	[tilespmem:s0+$0x1F0D0] =	vst v0  }
0x2c: {  	[tilespmem:s0+$0x1F0E0] =	vst v0;
	s0 =	simm.s32 $0x0  }
0x2d: {  	s26 =	sshra.s32 s0, $0x2  }
0x2e: {  	s26 =	sadd.s32 s26, s13  }
0x2f: {  	[spmem:s26] =	stream.linear.scatter [tilespmem:s19], [sflag:$0x7], $0x800, $0x38;
	[tilespmem:$0x1F880] =	vst v63  }
0x30: {  	s0 =	sadd.s32 $0x2000, s0;
	_ =	swait.ge [sflag:s20], $0x800  }
.LBB2_8:
0x31: {  	s26 =	sshra.s32 s0, $0x2;
	[sflag:s20] =	ssyncset.done $0x0;
	p1 =	sne.s32 s0, $0x30000  }
.Ltmp2:
0x32: {  	s26 =	sadd.s32 s26, s13;
	[sflag:s20] =	ssyncadd.s32 $0xFFFFF800;
	(pc) =	sbr.rel @p1 .LBB2_8-.Ltmp2, $3  }
0x33: {  	[spmem:s26] =	stream.linear.scatter [tilespmem:s19], [sflag:$0x7], $0x800, $0x38;
	[tilespmem:$0x1F880] =	vst v63  }
0x34: {  	s0 =	sadd.s32 $0x2000, s0;
	_ =	sdelay $0x1  }
0x35: {  	_ =	swait.ge [sflag:s20], $0x800  }
.Ltmp3:
0x36: {  	(pc) =	sbr.rel .LBB2_10-.Ltmp3, $3  }
0x37: {  	_ =	sdelay $0x1  }
0x38: {  	[sflag:s20] =	ssyncset.done $0x0  }
0x39: {  	[sflag:s20] =	ssyncadd.s32 $0xFFFFF800  }
.LBB2_4:
0x3a: {  	s26 =	sadd.s32 s26, s7  }
0x3b: {  	[spmem:s26] =	stream.linear.scatter [tilespmem:s19], [sflag:$0x7], $0x800, $0x38;
	[tilespmem:$0x1F880] =	vst v63  }
0x3c: {  	s0 =	sadd.s32 $0x2000, s0;
	_ =	swait.ge [sflag:s20], $0x800  }
.LBB2_5:
0x3d: {  	s26 =	sshra.s32 s0, $0x2;
	[sflag:s20] =	ssyncset.done $0x0;
	p1 =	seq.s32 s0, $0x4E000  }
.Ltmp4:
0x3e: {  	s26 =	sadd.s32 s26, s7;
	[sflag:s20] =	ssyncadd.s32 $0xFFFFF800;
	(pc) =	sbr.rel @!p1 .LBB2_5-.Ltmp4, $3  }
0x3f: {  	[spmem:s26] =	stream.linear.scatter [tilespmem:s19], [sflag:$0x7], $0x800, $0x38;
	[tilespmem:$0x1F880] =	vst v63  }
0x40: {  	s0 =	sadd.s32 $0x2000, s0;
	_ =	sdelay $0x1  }
0x41: {  	_ =	swait.ge [sflag:s20], $0x800  }
0x42: {  	[sflag:s20] =	ssyncset.done $0x0  }
0x43: {  	[sflag:s20] =	ssyncadd.s32 $0xFFFFF800  }
.LBB2_10:
0x44: {  	_ =	swait.ge [sflag:s21], $0x3E80  }
0x45: {  	[sflag:s21] =	ssyncset.done $0x0  }
0x46: {  	[sflag:s21] =	ssyncadd.s32 $0xFFFFC180  }
0x47: {  	[bflag:$0x0] =	sbarrier.arrive $0xFFFF  }
0x48: {  	_ =	swait.ge [sflag:s22], $0x2800  }
0x49: {  	[sflag:s22] =	ssyncset.done $0x0  }
0x4a: {  	[sflag:s22] =	ssyncadd.s32 $0xFFFFD800  }
0x4b: {  	[spmem:s1] =	stream.indirect.scatter.add.f32 [tilespmem:s17], [sflag:$0x4], $0x80, s16, s23, $0xb8;
	[tilespmem:$0x1F880] =	vst v63  }
0x4c: {  	s0 =	simm.s32 $0x0  }
0x4d: {  	[tilespmem:s24], [sflag:$0x3] =	stream.linear.gather [hbm4b:s8+s0], $0x2800, $0x38;
	[tilespmem:$0x1F880] =	vst v63  }
0x4e: {  	_ =	swait.ge [sflag:s25], $0x2800  }
0x4f: {  	[sflag:s25] =	ssyncset.done $0x0  }
0x50: {  	s4 =	simm.s32 $0x13900;
	[sflag:s25] =	ssyncadd.s32 $0xFFFFD800  }
0x51: {  	[spmem:s1] =	stream.indirect.scatter.add.f32 [tilespmem:s18], [sflag:$0x5], $0x80, s4, s23, $0xb8;
	[tilespmem:$0x1F880] =	vst v63  }
0x52: {  	_ =	swait.ge [sflag:s21], $0x2800  }
0x53: {  	[sflag:s21] =	ssyncset.done $0x0  }
0x54: {  	[sflag:s21] =	ssyncadd.s32 $0xFFFFD800  }
0x55: {  	[tilespmem:s17], [sflag:$0x1] =	stream.linear.gather [hbm4b:s9+s0], $0x2800, $0x38;
	[tilespmem:$0x1F880] =	vst v63  }
0x56: {  	_ =	swait.ge [sflag:s28], $0x2800  }
0x57: {  	[sflag:s28] =	ssyncset.done $0x0  }
0x58: {  	s26 =	simm.s32 $0x13980;
	[sflag:s28] =	ssyncadd.s32 $0xFFFFD800  }
0x59: {  	[spmem:s1] =	stream.indirect.scatter.add.f32 [tilespmem:s24], [sflag:$0x6], $0x80, s26, s23, $0xb8;
	[tilespmem:$0x1F880] =	vst v63  }
0x5a: {  	_ =	swait.ge [sflag:s30], $0x2800  }
0x5b: {  	[sflag:s30] =	ssyncset.done $0x0  }
0x5c: {  	[sflag:s30] =	ssyncadd.s32 $0xFFFFD800  }
0x5d: {  	[tilespmem:s18], [sflag:$0x2] =	stream.linear.gather [hbm4b:s10+s0], $0x2800, $0x38;
	[tilespmem:$0x1F880] =	vst v63  }
0x5e: {  	_ =	swait.ge [sflag:s22], $0x2800  }
0x5f: {  	[sflag:s22] =	ssyncset.done $0x0  }
0x60: {  	s26 =	simm.s32 $0x13A00;
	[sflag:s22] =	ssyncadd.s32 $0xFFFFD800  }
0x61: {  	[spmem:s1] =	stream.indirect.scatter.add.f32 [tilespmem:s17], [sflag:$0x4], $0x80, s26, s23, $0xb8;
	[tilespmem:$0x1F880] =	vst v63  }
0x62: {  	_ =	swait.ge [sflag:s31], $0x2800  }
0x63: {  	s0 =	sadd.s32 $0x0, s15;
	[sflag:s31] =	ssyncset.done $0x0  }
0x64: {  	s26 =	sadd.s32 $0x1900, s0;
	[sflag:s31] =	ssyncadd.s32 $0xFFFFD800  }
0x65: {  	[tilespmem:s24], [sflag:$0x3] =	stream.linear.gather [hbm4b:s26+s3], $0x2800, $0x38;
	[tilespmem:$0x1F880] =	vst v63  }
0x66: {  	_ =	swait.ge [sflag:s25], $0x2800  }
0x67: {  	[sflag:s25] =	ssyncset.done $0x0  }
0x68: {  	s4 =	simm.s32 $0x13A80;
	[sflag:s25] =	ssyncadd.s32 $0xFFFFD800  }
0x69: {  	[spmem:s1] =	stream.indirect.scatter.add.f32 [tilespmem:s18], [sflag:$0x5], $0x80, s4, s23, $0xb8;
	[tilespmem:$0x1F880] =	vst v63  }
0x6a: {  	_ =	swait.ge [sflag:s21], $0x2800  }
0x6b: {  	[sflag:s21] =	ssyncset.done $0x0  }
0x6c: {  	s4 =	sadd.s32 $0x1E00, s0;
	[sflag:s21] =	ssyncadd.s32 $0xFFFFD800  }
0x6d: {  	[tilespmem:s17], [sflag:$0x1] =	stream.linear.gather [hbm4b:s4+s3], $0x2800, $0x38;
	[tilespmem:$0x1F880] =	vst v63  }
0x6e: {  	_ =	swait.ge [sflag:s28], $0x2800  }
0x6f: {  	[sflag:s28] =	ssyncset.done $0x0  }
0x70: {  	s4 =	simm.s32 $0x13B00;
	[sflag:s28] =	ssyncadd.s32 $0xFFFFD800  }
0x71: {  	[spmem:s1] =	stream.indirect.scatter.add.f32 [tilespmem:s24], [sflag:$0x6], $0x80, s4, s23, $0xb8;
	[tilespmem:$0x1F880] =	vst v63  }
0x72: {  	_ =	swait.ge [sflag:s30], $0x2800  }
0x73: {  	s29 =	simm.s32 $0xF00;
	[sflag:s30] =	ssyncset.done $0x0  }
0x74: {  	s26 =	sadd.s32 $0x2300, s0;
	s0 =	simm.s32 $0x13C80;
	[sflag:s30] =	ssyncadd.s32 $0xFFFFD800  }
.LBB2_11:
0x75: {  	[tilespmem:s18], [sflag:$0x2] =	stream.linear.gather [hbm4b:s26+s3], $0x2800, $0x38;
	[tilespmem:$0x1F880] =	vst v63  }
0x76: {  	s26 =	smov.u32 s29  }
0x77: {  	p1 =	sne.s32 s29, $0x24900;
	s29 =	sadd.s32 $0xF00, s29;
	_ =	swait.ge [sflag:s22], $0x2800  }
0x78: {  	[sflag:s22] =	ssyncset.done $0x0  }
0x79: {  	s4 =	sadd.s32 $0xFFFFFF00, s0;
	[sflag:s22] =	ssyncadd.s32 $0xFFFFD800  }
0x7a: {  	[spmem:s1] =	stream.indirect.scatter.add.f32 [tilespmem:s17], [sflag:$0x4], $0x80, s4, s23, $0xb8;
	[tilespmem:$0x1F880] =	vst v63  }
0x7b: {  	_ =	swait.ge [sflag:s31], $0x2800  }
0x7c: {  	s4 =	sadd.s32 s26, s15;
	[sflag:s31] =	ssyncset.done $0x0  }
0x7d: {  	s26 =	sadd.s32 $0x1900, s4;
	[sflag:s31] =	ssyncadd.s32 $0xFFFFD800  }
0x7e: {  	[tilespmem:s24], [sflag:$0x3] =	stream.linear.gather [hbm4b:s26+s3], $0x2800, $0x38;
	[tilespmem:$0x1F880] =	vst v63  }
0x7f: {  	_ =	swait.ge [sflag:s25], $0x2800  }
0x80: {  	[sflag:s25] =	ssyncset.done $0x0  }
0x81: {  	s26 =	sadd.s32 $0xFFFFFF80, s0;
	[sflag:s25] =	ssyncadd.s32 $0xFFFFD800  }
0x82: {  	[spmem:s1] =	stream.indirect.scatter.add.f32 [tilespmem:s18], [sflag:$0x5], $0x80, s26, s23, $0xb8;
	[tilespmem:$0x1F880] =	vst v63  }
0x83: {  	_ =	swait.ge [sflag:s21], $0x2800  }
0x84: {  	[sflag:s21] =	ssyncset.done $0x0  }
0x85: {  	s26 =	sadd.s32 $0x1E00, s4;
	[sflag:s21] =	ssyncadd.s32 $0xFFFFD800  }
0x86: {  	[tilespmem:s17], [sflag:$0x1] =	stream.linear.gather [hbm4b:s26+s3], $0x2800, $0x38;
	[tilespmem:$0x1F880] =	vst v63  }
0x87: {  	_ =	swait.ge [sflag:s28], $0x2800  }
0x88: {  	[sflag:s28] =	ssyncset.done $0x0  }
.Ltmp5:
0x89: {  	[sflag:s28] =	ssyncadd.s32 $0xFFFFD800;
	(pc) =	sbr.rel @p1 .LBB2_11-.Ltmp5, $4  }
0x8a: {  	[spmem:s1] =	stream.indirect.scatter.add.f32 [tilespmem:s24], [sflag:$0x6], $0x80, s0, s23, $0xb8;
	[tilespmem:$0x1F880] =	vst v63  }
0x8b: {  	_ =	swait.ge [sflag:s30], $0x2800  }
0x8c: {  	[sflag:s30] =	ssyncset.done $0x0  }
0x8d: {  	s26 =	sadd.s32 $0x2300, s4;
	s0 =	sadd.s32 $0x180, s0;
	[sflag:s30] =	ssyncadd.s32 $0xFFFFD800  }
0x8e: {  	[tilespmem:s18], [sflag:$0x2] =	stream.linear.gather [hbm4b:s26+s3], $0x2800, $0x38;
	[tilespmem:$0x1F880] =	vst v63  }
0x8f: {  	_ =	swait.ge [sflag:s22], $0x2800  }
0x90: {  	[sflag:s22] =	ssyncset.done $0x0  }
0x91: {  	s0 =	simm.s32 $0x17600;
	[sflag:s22] =	ssyncadd.s32 $0xFFFFD800  }
0x92: {  	[spmem:s1] =	stream.indirect.scatter.add.f32 [tilespmem:s17], [sflag:$0x4], $0x80, s0, s23, $0xb8;
	[tilespmem:$0x1F880] =	vst v63  }
0x93: {  	_ =	swait.ge [sflag:s31], $0x2800  }
0x94: {  	[sflag:s31] =	ssyncset.done $0x0  }
0x95: {  	[sflag:s31] =	ssyncadd.s32 $0xFFFFD800  }
0x96: {  	_ =	swait.ge [sflag:s25], $0x2800  }
0x97: {  	[sflag:s25] =	ssyncset.done $0x0  }
0x98: {  	s29 =	simm.s32 $0x17680;
	[sflag:s25] =	ssyncadd.s32 $0xFFFFD800  }
0x99: {  	[spmem:s1] =	stream.indirect.scatter.add.f32 [tilespmem:s18], [sflag:$0x5], $0x80, s29, s23, $0xb8;
	[tilespmem:$0x1F880] =	vst v63  }
0x9a: {  	_ =	swait.ge [sflag:s21], $0x2800  }
0x9b: {  	[sflag:s21] =	ssyncset.done $0x0  }
0x9c: {  	[sflag:s21] =	ssyncadd.s32 $0xFFFFD800  }
0x9d: {  	_ =	swait.ge [sflag:s30], $0x2800  }
0x9e: {  	[sflag:s30] =	ssyncset.done $0x0  }
0x9f: {  	[sflag:s30] =	ssyncadd.s32 $0xFFFFD800  }
0xa0: {  	s4 =	simm.s32 @p0 $0x1FC7;
	s0 =	sshrl.u32 @p0 s13, $0x3;
	[bflag:$0x0] =	sbarrier.arrive $0xFFFF  }
0xa1: {  	[hbm:s12], [sflag:s4] =	dma.local @p0 [spmem:s0], $0x1900  }
0xa2: {  	s0 =	simm.s32 @p0 $0x7  }
0xa3: {  	s2 =	sadd.s32 $0x1, s2;
	s4 =	stileid.u32;
	_ =	swait.ge @p0 [sflag:s0], $0x1900  }
0xa4: {  	p1 =	sne.s32 s2, s14;
	s4 =	sshll.u32 @!p0 s4, $0x6;
	[sflag:s0] =	ssyncset.done @p0 $0x0  }
0xa5: {  	[sflag:s0] =	ssyncadd.s32 @p0 $0xFFFFE700;
	s0 =	sor.u32 @!p0 $0x1C07, s4;
	s4 =	sshrl.u32 @!p0 s7, $0x3  }
0xa6: {  	[hbm:s11], [sflag:s0] =	dma.local @!p0 [spmem:s4], $0x2800  }
.Ltmp6:
0xa7: {  	_ = 	snop;
	(pc) =	sbr.rel @p1 .LBB2_1-.Ltmp6, $4  }
0xa8: {  	s0 =	simm.s32 @!p0 $0x7  }
0xa9: {  	_ =	swait.ge @!p0 [sflag:s0], $0x2800  }
0xaa: {  	[sflag:s0] =	ssyncset.done @!p0 $0x0  }
0xab: {  	[sflag:s0] =	ssyncadd.s32 @!p0 $0xFFFFD800  }
0xac: {  	_ =	sfence.sel $0x180000  }
0xad: {  	[bflag:$0x0] =	sbarrier.arrive $0xFFFF  }
0xae: {  	_ =	strace $0x90000047  }
0xaf: {  	s0 =	stileid.u32;
	[bflag:$0x2] =	sbarrier.arrive $0xFFFF  }
0xb0: {  	p0 =	sne.s32 s0, $0x0;
	s0 =	rddreg [dreg:$0x4]  }
0xb1: {  	s0 =	sadd.s32 @!p0 $0x100000, s0  }
0xb2: {  	[sflag:s0] =	ssyncadd.tile.s32 @!p0 $0x1;
	_ =	shalt  }
.Lfunc_end2:
_tile_overlayer_lowered:
.L_overlay_start_2:
0xb3: {  	(tag) =	ssettag $0x2  }
0xb4: {  	s0 =	rddreg [dreg:$0x0];
	s2 =	stileid.u32  }
0xb5: {  	s1 =	rddreg [dreg:$0x1];
	p0 =	sne.s32 s2, $0x0  }
0xb6: {  	s3 =	rddreg [dreg:$0x2];
	[bflag:$0x3] =	sbarrier.arrive $0xFFFF;
	s2 =	simm.s32 @!p0 $0x1C07  }
0xb7: {  	[timem:s3], [sflag:s2] =	dma.local @!p0 [hbm:s0], s1  }
0xb8: {  	s0 =	simm.s32 @!p0 $0x7  }
0xb9: {  	_ =	swait.ge @!p0 [sflag:s0], s1  }
0xba: {  	s1 =	ssub.s32 @!p0 $0x0, s1;
	[sflag:s0] =	ssyncset.done @!p0 $0x0  }
0xbb: {  	[sflag:s0] =	ssyncadd.s32 @!p0 s1  }
0xbc: {  	[bflag:$0x3] =	sbarrier.arrive $0xFFFF  }
0xbd: {  	_ =	shalt  }

</sc_bundles>
